<compile_context>
chip_gen: v7x
topology: tpu7x:2x2x1
jax: 0.10.2.dev20260603
libtpu: 0.0.44.dev20260713+nightly
codegen_flags: <defaults>
</compile_context>

<pallas_src>
import functools

import jax
import jax.numpy as jnp
from jax import lax
from jax.experimental import pallas as pl
from jax.experimental.pallas import tpu as pltpu
from jax.experimental.pallas import tpu_sc as plsc

N_M = 10000
N_D = 2048
N_MP = 10112
N_DP = 2048
MM_EP = 163840
NBUF = 4



def _sc_mesh():
    return plsc.VectorSubcoreMesh(core_axis_name="c", subcore_axis_name="s",
                                  num_cores=2, num_subcores=16)


def _zero_zbuf(zbuf, width):
    nchunks = width // 16

    def zb(i, _):
        for j in range(nchunks):
            zbuf[i, pl.ds(j * 16, 16)] = jnp.zeros((16,), jnp.float32)
        return 0

    lax.fori_loop(0, zbuf.shape[0], zb, 0)


def _zero_acc(zbuf, acc, row0, nrows):
    nfull, rem = nrows // 128, nrows % 128

    def za(i, _):
        pltpu.sync_copy(zbuf, acc.at[pl.ds(row0 + i * 128, 128)])
        return 0

    lax.fori_loop(0, nfull, za, 0)
    if rem:
        pltpu.sync_copy(zbuf.at[pl.ds(0, rem)],
                        acc.at[pl.ds(row0 + nfull * 128, rem)])


@functools.partial(jax.jit, static_argnums=(3, 4))
def _sc_scatter(h_flat, srcs3, dst3, n_acc, n_edges):
    ept = n_edges // 16
    nit = ept // 128
    ch = n_acc // 16

    @functools.partial(
        pl.kernel,
        out_type=jax.ShapeDtypeStruct((2 * n_acc, 128), jnp.float32),
        mesh=_sc_mesh(),
        scratch_types=[
            pltpu.VMEM((2, 128), jnp.int32),
            pltpu.VMEM((2, 128), jnp.int32),
            pltpu.VMEM((2, 128, 128), jnp.float32),
            pltpu.VMEM_SHARED((n_acc, 128), jnp.float32),
        ] + [pltpu.SemaphoreType.DMA] * 6,
    )
    def k(h_hbm, srcs_hbm, dst_hbm, out_hbm, sidx, didx, rows, acc,
          is0, is1, js0, js1, gs0, gs1):
        c = lax.axis_index("c")
        s = lax.axis_index("s")
        isems = (is0, is1)
        jsems = (js0, js1)
        gsems = (gs0, gs1)
        zbuf = rows.at[0]
        _zero_zbuf(zbuf, 128)
        _zero_acc(zbuf, acc, s * ch, ch)
        plsc.subcore_barrier()
        base = s * ept

        def run(core):
            def istart(i, b):
                off = base + i * 128
                pltpu.async_copy(srcs_hbm.at[core, pl.ds(off, 128)],
                                 sidx.at[b], isems[b])
                pltpu.async_copy(dst_hbm.at[pl.ds(off, 128)],
                                 didx.at[b], jsems[b])

            def iwait(i, b):
                off = base + i * 128
                pltpu.make_async_copy(srcs_hbm.at[core, pl.ds(off, 128)],
                                      sidx.at[b], isems[b]).wait()
                pltpu.make_async_copy(dst_hbm.at[pl.ds(off, 128)],
                                      didx.at[b], jsems[b]).wait()

            def gstart(b):
                pltpu.async_copy(h_hbm.at[sidx.at[b]], rows.at[b], gsems[b])

            def gwait(b):
                pltpu.make_async_copy(h_hbm.at[sidx.at[b]], rows.at[b],
                                      gsems[b]).wait()

            istart(0, 0)
            istart(1, 1)
            iwait(0, 0)
            gstart(0)

            def body(g, _):
                for b in range(2):
                    i = 2 * g + b

                    @pl.when(i + 1 < nit)
                    def _():
                        iwait(i + 1, 1 - b)
                        gstart(1 - b)

                    gwait(b)
                    pltpu.sync_copy(rows.at[b], acc.at[didx.at[b]], add=True)

                    @pl.when(i + 2 < nit)
                    def _():
                        istart(i + 2, b)

                return 0

            lax.fori_loop(0, nit // 2, body, 0)

        @pl.when(c == 0)
        def _():
            run(0)

        @pl.when(c == 1)
        def _():
            run(1)

        plsc.subcore_barrier()

        @pl.when(c == 0)
        def _():
            pltpu.sync_copy(acc.at[pl.ds(s * ch, ch)],
                            out_hbm.at[pl.ds(s * ch, ch)])

        @pl.when(c == 1)
        def _():
            pltpu.sync_copy(acc.at[pl.ds(s * ch, ch)],
                            out_hbm.at[pl.ds(n_acc + s * ch, ch)])

    return k(h_flat, srcs3, dst3)


_CNT_EM = MM_EP + 65536
_CNT_ED = 32768 + 65536
_CNT_N0 = N_MP + N_DP
_CNT_N1 = N_DP + N_MP


@jax.jit
def _sc_count(dstm, dstd):
    ch0, ch1 = _CNT_N0 // 16, _CNT_N1 // 16
    ept0, ept1 = _CNT_EM // 16, _CNT_ED // 16
    nit0, nit1 = ept0 // 128, ept1 // 128

    @functools.partial(
        pl.kernel,
        out_type=[jax.ShapeDtypeStruct((_CNT_N0, 128), jnp.float32),
                  jax.ShapeDtypeStruct((_CNT_N1, 128), jnp.float32)],
        mesh=_sc_mesh(),
        scratch_types=[
            pltpu.VMEM((128,), jnp.int32),
            pltpu.VMEM((128, 128), jnp.float32),
            pltpu.VMEM((128, 128), jnp.float32),
            pltpu.VMEM_SHARED((_CNT_N0, 128), jnp.float32),
        ],
    )
    def k(dstm_hbm, dstd_hbm, outm, outd, idx_d, ones, zbuf, acc):
        c = lax.axis_index("c")
        s = lax.axis_index("s")

        def ob(i, _):
            for j in range(8):
                ones[i, pl.ds(j * 16, 16)] = jnp.ones((16,), jnp.float32)
            return 0

        lax.fori_loop(0, 128, ob, 0)
        _zero_zbuf(zbuf, 128)
        _zero_acc(zbuf, acc, s * ch0, ch0)
        plsc.subcore_barrier()

        def count_phase(dst_hbm, nit):
            base = s * nit * 128

            def body(i, _):
                pltpu.sync_copy(dst_hbm.at[pl.ds(base + i * 128, 128)], idx_d)
                pltpu.sync_copy(ones, acc.at[idx_d], add=True)
                return 0

            lax.fori_loop(0, nit, body, 0)

        @pl.when(c == 0)
        def _():
            count_phase(dstm_hbm, nit0)

        @pl.when(c == 1)
        def _():
            count_phase(dstd_hbm, nit1)

        plsc.subcore_barrier()

        @pl.when(c == 0)
        def _():
            pltpu.sync_copy(acc.at[pl.ds(s * ch0, ch0)],
                            outm.at[pl.ds(s * ch0, ch0)])

        @pl.when(c == 1)
        def _():
            pltpu.sync_copy(acc.at[pl.ds(s * ch1, ch1)],
                            outd.at[pl.ds(s * ch1, ch1)])

    return k(dstm, dstd)



def _mlp_body(x_ref, w1_ref, b1_ref, w2_ref, b2_ref, o_ref):
    h = jnp.dot(x_ref[...], w1_ref[...], preferred_element_type=jnp.float32)
    h = jnp.maximum(h + b1_ref[...], 0.0)
    y = jnp.dot(h, w2_ref[...], preferred_element_type=jnp.float32)
    o_ref[...] = y + b2_ref[...]


def _mlp(x, p, n_out, rb=512):
    k = x.shape[1]
    h1 = p["W1"].shape[1]
    m = p["W2"].shape[1]
    return pl.pallas_call(
        _mlp_body,
        grid=(pl.cdiv(n_out, rb),),
        in_specs=[
            pl.BlockSpec((rb, k), lambda i: (i, 0)),
            pl.BlockSpec((k, h1), lambda i: (0, 0)),
            pl.BlockSpec((1, h1), lambda i: (0, 0)),
            pl.BlockSpec((h1, m), lambda i: (0, 0)),
            pl.BlockSpec((1, m), lambda i: (0, 0)),
        ],
        out_specs=pl.BlockSpec((rb, m), lambda i: (i, 0)),
        out_shape=jax.ShapeDtypeStruct((n_out, m), jnp.float32),
    )(x, p["W1"], p["b1"].reshape(1, -1), p["W2"], p["b2"].reshape(1, -1))


def _mm_parts_body(x_ref, w_ref, cnt_ref, o_ref, *, nparts, scale):
    y = jnp.dot(x_ref[...], w_ref[...], preferred_element_type=jnp.float32)
    if scale:
        y = y * lax.rsqrt(cnt_ref[...][:, 0:1] + 1.0)
    for j in range(nparts):
        o_ref[j] = y[:, j * 128:(j + 1) * 128]


def _mm_parts(x, W, cnt, scale, rb=512):
    n, k = x.shape
    m = W.shape[1]
    nparts = m // 128
    return pl.pallas_call(
        functools.partial(_mm_parts_body, nparts=nparts, scale=scale),
        grid=(pl.cdiv(n, rb),),
        in_specs=[
            pl.BlockSpec((rb, k), lambda i: (i, 0)),
            pl.BlockSpec((k, m), lambda i: (0, 0)),
            pl.BlockSpec((rb, 128), lambda i: (i, 0)),
        ],
        out_specs=pl.BlockSpec((nparts, rb, 128), lambda i: (0, i, 0)),
        out_shape=jax.ShapeDtypeStruct((nparts, n, 128), jnp.float32),
    )(x, W, cnt)


def _cat2(ref):
    return jnp.concatenate([ref[0], ref[1]], axis=-1)


def _recip(cnt_ref):
    c = cnt_ref[...][:, 0:1]
    return jnp.where(c > 0, 1.0 / jnp.maximum(c, 1.0), 0.0)


def _gcn_mid_body(s_ref, hp_ref, cnt_ref, b1_ref, w2_ref, o_ref):
    dinv = lax.rsqrt(cnt_ref[...][:, 0:1] + 1.0)
    z = jnp.maximum(dinv * (_cat2(s_ref) + _cat2(hp_ref)) + b1_ref[...], 0.0)
    y = jnp.dot(z, w2_ref[...], preferred_element_type=jnp.float32) * dinv
    o_ref[0] = y[:, :128]
    o_ref[1] = y[:, 128:]


def _gcn_mid(s1, hp, cnt, b1, W2, rb=512):
    n = hp.shape[1]
    return pl.pallas_call(
        _gcn_mid_body,
        grid=(pl.cdiv(n, rb),),
        in_specs=[
            pl.BlockSpec((2, rb, 128), lambda i: (0, i, 0)),
            pl.BlockSpec((2, rb, 128), lambda i: (0, i, 0)),
            pl.BlockSpec((rb, 128), lambda i: (i, 0)),
            pl.BlockSpec((1, 256), lambda i: (0, 0)),
            pl.BlockSpec((256, 256), lambda i: (0, 0)),
        ],
        out_specs=pl.BlockSpec((2, rb, 128), lambda i: (0, i, 0)),
        out_shape=jax.ShapeDtypeStruct((2, n, 128), jnp.float32),
    )(s1, hp, cnt, b1.reshape(1, -1), W2)


def _gcn_fin_body(s_ref, hp_ref, cnt_ref, b2_ref, o_ref):
    dinv = lax.rsqrt(cnt_ref[...][:, 0:1] + 1.0)
    o_ref[...] = dinv * (_cat2(s_ref) + _cat2(hp_ref)) + b2_ref[...]


def _gcn_fin(s2, hp, cnt, b2, rb=512):
    n = hp.shape[1]
    return pl.pallas_call(
        _gcn_fin_body,
        grid=(pl.cdiv(n, rb),),
        in_specs=[
            pl.BlockSpec((2, rb, 128), lambda i: (0, i, 0)),
            pl.BlockSpec((2, rb, 128), lambda i: (0, i, 0)),
            pl.BlockSpec((rb, 128), lambda i: (i, 0)),
            pl.BlockSpec((1, 256), lambda i: (0, 0)),
        ],
        out_specs=pl.BlockSpec((rb, 256), lambda i: (i, 0)),
        out_shape=jax.ShapeDtypeStruct((n, 256), jnp.float32),
    )(s2, hp, cnt, b2.reshape(1, -1))


def _rgcn_mid_body(h_ref, sa_ref, sb_ref, ca_ref, cb_ref, b_ref, w_ref, o_ref):
    x2 = (_cat2(h_ref) + _recip(ca_ref) * _cat2(sa_ref)
          + _recip(cb_ref) * _cat2(sb_ref) + b_ref[...])
    x2 = jnp.maximum(x2, 0.0)
    y = jnp.dot(x2, w_ref[...], preferred_element_type=jnp.float32)
    for j in range(6):
        o_ref[j] = y[:, j * 128:(j + 1) * 128]


def _rgcn_mid(H, sa, sb, ca, cb, b1, Wcat2, rb=512):
    n = H.shape[1]
    return pl.pallas_call(
        _rgcn_mid_body,
        grid=(pl.cdiv(n, rb),),
        in_specs=[
            pl.BlockSpec((2, rb, 128), lambda i: (0, i, 0)),
            pl.BlockSpec((2, rb, 128), lambda i: (0, i, 0)),
            pl.BlockSpec((2, rb, 128), lambda i: (0, i, 0)),
            pl.BlockSpec((rb, 128), lambda i: (i, 0)),
            pl.BlockSpec((rb, 128), lambda i: (i, 0)),
            pl.BlockSpec((1, 256), lambda i: (0, 0)),
            pl.BlockSpec((256, 768), lambda i: (0, 0)),
        ],
        out_specs=pl.BlockSpec((6, rb, 128), lambda i: (0, i, 0)),
        out_shape=jax.ShapeDtypeStruct((6, n, 128), jnp.float32),
    )(H, sa, sb, ca, cb, b1.reshape(1, -1), Wcat2)


def _rgcn_fin_body(h_ref, sa_ref, sb_ref, ca_ref, cb_ref, b_ref, o_ref):
    o_ref[...] = (_cat2(h_ref) + _recip(ca_ref) * _cat2(sa_ref)
                  + _recip(cb_ref) * _cat2(sb_ref) + b_ref[...])


def _rgcn_fin(H, sa, sb, ca, cb, b2, rb=512):
    n = H.shape[1]
    return pl.pallas_call(
        _rgcn_fin_body,
        grid=(pl.cdiv(n, rb),),
        in_specs=[
            pl.BlockSpec((2, rb, 128), lambda i: (0, i, 0)),
            pl.BlockSpec((2, rb, 128), lambda i: (0, i, 0)),
            pl.BlockSpec((2, rb, 128), lambda i: (0, i, 0)),
            pl.BlockSpec((rb, 128), lambda i: (i, 0)),
            pl.BlockSpec((rb, 128), lambda i: (i, 0)),
            pl.BlockSpec((1, 256), lambda i: (0, 0)),
        ],
        out_specs=pl.BlockSpec((rb, 256), lambda i: (i, 0)),
        out_shape=jax.ShapeDtypeStruct((n, 256), jnp.float32),
    )(H, sa, sb, ca, cb, b2.reshape(1, -1))


def _fuse2_body(a_ref, b_ref, wt_ref, wb_ref, bias_ref, o_ref):
    y = jnp.dot(a_ref[...], wt_ref[...], preferred_element_type=jnp.float32)
    y = y + jnp.dot(b_ref[...], wb_ref[...], preferred_element_type=jnp.float32)
    o_ref[...] = jnp.maximum(y + bias_ref[...], 0.0)


def _fuse2(za, zb, W, b, rb=512):
    n = za.shape[0]
    m = W.shape[1]
    return pl.pallas_call(
        _fuse2_body,
        grid=(pl.cdiv(n, rb),),
        in_specs=[
            pl.BlockSpec((rb, 256), lambda i: (i, 0)),
            pl.BlockSpec((rb, 256), lambda i: (i, 0)),
            pl.BlockSpec((256, m), lambda i: (0, 0)),
            pl.BlockSpec((256, m), lambda i: (0, 0)),
            pl.BlockSpec((1, m), lambda i: (0, 0)),
        ],
        out_specs=pl.BlockSpec((rb, m), lambda i: (i, 0)),
        out_shape=jax.ShapeDtypeStruct((n, m), jnp.float32),
    )(za, zb, W[:256], W[256:], b.reshape(1, -1))


def _mm_body(x_ref, w_ref, o_ref):
    o_ref[...] = jnp.dot(x_ref[...], w_ref[...],
                         preferred_element_type=jnp.float32)


def _mm(x, W, rb=1024):
    n, k = x.shape
    m = W.shape[1]
    return pl.pallas_call(
        _mm_body,
        grid=(pl.cdiv(n, rb),),
        in_specs=[
            pl.BlockSpec((rb, k), lambda i: (i, 0)),
            pl.BlockSpec((k, m), lambda i: (0, 0)),
        ],
        out_specs=pl.BlockSpec((rb, m), lambda i: (i, 0)),
        out_shape=jax.ShapeDtypeStruct((n, m), jnp.float32),
    )(x, W)


def _decode_body(a_ref, bq_ref, o_ref):
    o_ref[...] = lax.dot_general(
        a_ref[...], bq_ref[...], (((1,), (1,)), ((), ())),
        preferred_element_type=jnp.float32)


def _decode(zm, zd, P, Q, rb=1024):
    a = _mm(zm, P)
    bq = _mm(zd, Q)
    n = a.shape[0]
    return pl.pallas_call(
        _decode_body,
        grid=(pl.cdiv(n, rb),),
        in_specs=[
            pl.BlockSpec((rb, a.shape[1]), lambda i: (i, 0)),
            pl.BlockSpec(bq.shape, lambda i: (0, 0)),
        ],
        out_specs=pl.BlockSpec((rb, bq.shape[0]), lambda i: (i, 0)),
        out_shape=jax.ShapeDtypeStruct((n, bq.shape[0]), jnp.float32),
    )(a, bq)



def _srcs2(src, base_part, n_rows):
    return jnp.stack([src + base_part * n_rows,
                      src + (base_part + 1) * n_rows])


def _d3(dst):
    return dst


def _gcn2(x, src, dst, cnt, p, n, n_edges):
    hp = _mm_parts(x, p["gcn1_W"], cnt, scale=True)
    s1 = _sc_scatter(hp.reshape(-1, 128), _srcs2(src, 0, n), _d3(dst), n, n_edges)
    h2p = _gcn_mid(s1.reshape(2, n, 128), hp, cnt, p["gcn1_b"], p["gcn2_W"])
    s2 = _sc_scatter(h2p.reshape(-1, 128), _srcs2(src, 0, n), _d3(dst), n, n_edges)
    return _gcn_fin(s2.reshape(2, n, 128), h2p, cnt, p["gcn2_b"])


def kernel(x_sim_m, x_sem_m, x_sim_d, x_sem_d, mm_edge, dd_edge, md_edge, dm_edge, params):
    p = params
    i32 = jnp.int32
    npad = MM_EP - mm_edge.shape[1]
    mm_src = jnp.concatenate([mm_edge[0], jnp.zeros((npad,), i32)])
    mm_dst = jnp.concatenate([mm_edge[1], jnp.full((npad,), N_M + 8, i32)])

    dstm_list = jnp.concatenate([mm_dst, md_edge[1] + N_MP])
    dstd_list = jnp.concatenate([dd_edge[1], dm_edge[1] + N_DP])
    cnt0, cnt1 = _sc_count(dstm_list, dstd_list)
    cnt_mm, cnt_md = cnt0[:N_MP], cnt0[N_MP:]
    cnt_dd, cnt_dm = cnt1[:N_DP], cnt1[N_DP:]

    m_sim = _mlp(x_sim_m, p["m_sim"], N_MP)
    d_sim = _mlp(x_sim_d, p["d_sim"], N_DP)
    zm_sim = _gcn2(m_sim, mm_src, mm_dst, cnt_mm, p, N_MP, MM_EP)
    zd_sim = _gcn2(d_sim, dd_edge[0], dd_edge[1], cnt_dd, p, N_DP, 32768)

    m_sem = _mlp(x_sem_m, p["m_sem"], N_MP)
    d_sem = _mlp(x_sem_d, p["d_sem"], N_DP)
    Wm1 = jnp.concatenate([p["rgcn1_Wroot"], p["rgcn1_Wrel"][0], p["rgcn1_Wrel"][2]], axis=1)
    Wd1 = jnp.concatenate([p["rgcn1_Wroot"], p["rgcn1_Wrel"][1], p["rgcn1_Wrel"][3]], axis=1)
    Wm2 = jnp.concatenate([p["rgcn2_Wroot"], p["rgcn2_Wrel"][0], p["rgcn2_Wrel"][2]], axis=1)
    Wd2 = jnp.concatenate([p["rgcn2_Wroot"], p["rgcn2_Wrel"][1], p["rgcn2_Wrel"][3]], axis=1)
    dummy_cnt_m = cnt_mm
    Hm = _mm_parts(m_sem, Wm1, dummy_cnt_m, scale=False)
    Hd = _mm_parts(d_sem, Wd1, cnt_dd, scale=False)

    def rel_scatters(Hm_, Hd_):
        hmf = Hm_.reshape(-1, 128)
        hdf = Hd_.reshape(-1, 128)
        s0 = _sc_scatter(hmf, _srcs2(mm_src, 2, N_MP), _d3(mm_dst), N_MP, MM_EP)
        s2 = _sc_scatter(hmf, _srcs2(md_edge[0], 4, N_MP), _d3(md_edge[1]), N_DP, 65536)
        s1 = _sc_scatter(hdf, _srcs2(dd_edge[0], 2, N_DP), _d3(dd_edge[1]), N_DP, 32768)
        s3 = _sc_scatter(hdf, _srcs2(dm_edge[0], 4, N_DP), _d3(dm_edge[1]), N_MP, 65536)
        return (s0.reshape(2, N_MP, 128), s1.reshape(2, N_DP, 128),
                s2.reshape(2, N_DP, 128), s3.reshape(2, N_MP, 128))

    s0, s1, s2, s3 = rel_scatters(Hm, Hd)
    Hm = _rgcn_mid(Hm, s0, s3, cnt_mm, cnt_dm, p["rgcn1_b"], Wm2)
    Hd = _rgcn_mid(Hd, s1, s2, cnt_dd, cnt_md, p["rgcn1_b"], Wd2)
    s0, s1, s2, s3 = rel_scatters(Hm, Hd)
    zm_sem = _rgcn_fin(Hm, s0, s3, cnt_mm, cnt_dm, p["rgcn2_b"])
    zd_sem = _rgcn_fin(Hd, s1, s2, cnt_dd, cnt_md, p["rgcn2_b"])

    zm = _fuse2(zm_sim, zm_sem, p["mf_W"], p["mf_b"])
    zd = _fuse2(zd_sim, zd_sem, p["df_W"], p["df_b"])
    logits = _decode(zm, zd, p["P"], p["Q"])
    return logits[:N_M, :N_D]

# --- scband reference (transcript-rebuilt; emitter-appended) ---
"""Pipeline reference for scband-mdapredictor-75024488727060 (READ-ONLY COPY).

The authoritative reference and input builder live on the scoring server;
editing this copy changes nothing except your own understanding.
"""

import jax, jax.numpy as jnp
import numpy as np

N_M = 10000
N_D = 2048
IN_DIM = 512
H = 256
EMB = 256
R = 4

def _glorot(k, shape):
    lim = float(np.sqrt(6.0 / (shape[-2] + shape[-1])))
    return jax.random.uniform(k, shape, jnp.float32, -lim, lim)

def setup_inputs(seed: int = 0):
    key = jax.random.key(seed)
    keys = iter(jax.random.split(key, 64))
    nk = lambda: next(keys)
    inp = {}
    inp["x_sim_m"] = jax.random.normal(nk(), (N_M, IN_DIM), dtype=jnp.float32)
    inp["x_sem_m"] = jax.random.normal(nk(), (N_M, IN_DIM), dtype=jnp.float32)
    inp["x_sim_d"] = jax.random.normal(nk(), (N_D, IN_DIM), dtype=jnp.float32)
    inp["x_sem_d"] = jax.random.normal(nk(), (N_D, IN_DIM), dtype=jnp.float32)
    inp["mm_edge"] = jax.random.randint(nk(), (2, 160000), 0, N_M, dtype=jnp.int32)
    inp["dd_edge"] = jax.random.randint(nk(), (2, 32768), 0, N_D, dtype=jnp.int32)
    inp["md_edge"] = jax.random.randint(nk(), (2, 65536), 0, N_D, dtype=jnp.int32)
    inp["dm_edge"] = jax.random.randint(nk(), (2, 65536), 0, N_D, dtype=jnp.int32)
    def proj(in_dim):
        return {"W1": _glorot(nk(), (in_dim, H)), "b1": jnp.zeros((H,), jnp.float32),
                "W2": _glorot(nk(), (H, H)), "b2": jnp.zeros((H,), jnp.float32)}
    params = {
        "m_sim": proj(IN_DIM), "m_sem": proj(IN_DIM),
        "d_sim": proj(IN_DIM), "d_sem": proj(IN_DIM),
        "gcn1_W": _glorot(nk(), (H, H)), "gcn1_b": jnp.zeros((H,), jnp.float32),
        "gcn2_W": _glorot(nk(), (H, EMB)), "gcn2_b": jnp.zeros((EMB,), jnp.float32),
        "rgcn1_Wroot": _glorot(nk(), (H, H)), "rgcn1_Wrel": _glorot(nk(), (R, H, H)), "rgcn1_b": jnp.zeros((H,), jnp.float32),
        "rgcn2_Wroot": _glorot(nk(), (H, EMB)), "rgcn2_Wrel": _glorot(nk(), (R, H, EMB)), "rgcn2_b": jnp.zeros((EMB,), jnp.float32),
        "mf_W": _glorot(nk(), (2 * EMB, EMB)), "mf_b": jnp.zeros((EMB,), jnp.float32),
        "df_W": _glorot(nk(), (2 * EMB, EMB)), "df_b": jnp.zeros((EMB,), jnp.float32),
        "P": _glorot(nk(), (EMB, 64)), "Q": _glorot(nk(), (EMB, 64)),
    }
    inp["params"] = params
    return inp

def _mlp(x, p):
    h = jax.nn.relu(x @ p["W1"] + p["b1"])
    return h @ p["W2"] + p["b2"]

def _gcn(x, edge_index, W, b, n):
    loops = jnp.arange(n, dtype=edge_index.dtype)
    src = jnp.concatenate([edge_index[0], loops])
    dst = jnp.concatenate([edge_index[1], loops])
    ones = jnp.ones(dst.shape[0], dtype=x.dtype)
    deg = jax.ops.segment_sum(ones, dst, num_segments=n)
    dinv = jnp.where(deg > 0, 1.0 / jnp.sqrt(deg), 0.0)
    norm = dinv[src] * dinv[dst]
    h = x @ W
    out = jax.ops.segment_sum(h[src] * norm[:, None], dst, num_segments=n)
    return out + b

def _rgcn(x, edge_index, edge_type, Wrel, Wroot, b, n, num_rel):
    out = x @ Wroot + b
    src = edge_index[0]
    dst = edge_index[1]
    for r in range(num_rel):
        mask = (edge_type == r).astype(x.dtype)
        deg = jax.ops.segment_sum(mask, dst, num_segments=n)
        w = mask * jnp.where(deg > 0, 1.0 / deg, 0.0)[dst]
        h = x @ Wrel[r]
        out = out + jax.ops.segment_sum(h[src] * w[:, None], dst, num_segments=n)
    return out

def _forward(x_sim_m, x_sem_m, x_sim_d, x_sem_d, mm_edge, dd_edge, md_edge, dm_edge, p):
    # homogeneous (similarity) branch: shared GCN over microbe and disease sim graphs
    m_sim = _mlp(x_sim_m, p["m_sim"])
    d_sim = _mlp(x_sim_d, p["d_sim"])
    zm_sim = jax.nn.relu(_gcn(m_sim, mm_edge, p["gcn1_W"], p["gcn1_b"], N_M))
    zm_sim = _gcn(zm_sim, mm_edge, p["gcn2_W"], p["gcn2_b"], N_M)
    zd_sim = jax.nn.relu(_gcn(d_sim, dd_edge, p["gcn1_W"], p["gcn1_b"], N_D))
    zd_sim = _gcn(zd_sim, dd_edge, p["gcn2_W"], p["gcn2_b"], N_D)
    # heterogeneous (semantic) branch: RGCN over homogenized hetero graph
    m_sem = _mlp(x_sem_m, p["m_sem"])
    d_sem = _mlp(x_sem_d, p["d_sem"])
    x = jnp.concatenate([m_sem, d_sem], axis=0)
    e_mm = mm_edge
    e_dd = dd_edge + N_M
    e_md = jnp.stack([md_edge[0], md_edge[1] + N_M])
    e_dm = jnp.stack([dm_edge[0] + N_M, dm_edge[1]])
    ei = jnp.concatenate([e_mm, e_dd, e_md, e_dm], axis=1)
    et = jnp.concatenate([
        jnp.full((e_mm.shape[1],), 0, dtype=jnp.int32),
        jnp.full((e_dd.shape[1],), 1, dtype=jnp.int32),
        jnp.full((e_md.shape[1],), 2, dtype=jnp.int32),
        jnp.full((e_dm.shape[1],), 3, dtype=jnp.int32)])
    n_tot = N_M + N_D
    h = _rgcn(x, ei, et, p["rgcn1_Wrel"], p["rgcn1_Wroot"], p["rgcn1_b"], n_tot, R)
    h = jax.nn.relu(h)
    h = _rgcn(h, ei, et, p["rgcn2_Wrel"], p["rgcn2_Wroot"], p["rgcn2_b"], n_tot, R)
    zm_sem = h[:N_M]
    zd_sem = h[N_M:]
    # fusion + bilinear low-rank decode
    zm = jax.nn.relu(jnp.concatenate([zm_sim, zm_sem], axis=-1) @ p["mf_W"] + p["mf_b"])
    zd = jax.nn.relu(jnp.concatenate([zd_sim, zd_sem], axis=-1) @ p["df_W"] + p["df_b"])
    logits = (zm @ p["P"]) @ (zd @ p["Q"]).T
    return logits

def reference(x_sim_m, x_sem_m, x_sim_d, x_sem_d, mm_edge, dd_edge, md_edge, dm_edge, params):
    return _forward(x_sim_m, x_sem_m, x_sim_d, x_sem_d, mm_edge, dd_edge, md_edge, dm_edge, params)

if __name__ == "__main__":
    import jax
    _d = setup_inputs()
    print(jax.jit(kernel)(*tuple(_d.values())))

</pallas_src>

<mosaic_0001>
#map = affine_map<(d0, d1) -> (0)>
#map1 = affine_map<(d0, d1) -> (0, 0)>
module attributes {stable_mosaic.version = 14 : i64} {
  func.func @k(%arg0: i32, %arg1: i32, %arg2: memref<229376xi32, #tpu.memory_space<hbm>>, %arg3: memref<98304xi32, #tpu.memory_space<hbm>>, %arg4: memref<12160x128xf32, #tpu.memory_space<hbm>>, %arg5: memref<12160x128xf32, #tpu.memory_space<hbm>>, %arg6: memref<128xi32, #tpu.memory_space<vmem>>, %arg7: memref<128x128xf32, #tpu.memory_space<vmem>>, %arg8: memref<128x128xf32, #tpu.memory_space<vmem>>, %arg9: memref<12160x128xf32, #tpu.memory_space<vmem_shared>>) attributes {dimension_semantics = [#tpu.dimension_semantics<core_parallel>, #tpu.dimension_semantics<subcore_parallel>], iteration_bounds = array<i64: 2, 16>, scalar_prefetch = 0 : i64, scratch_operands = 4 : i64, tpu.core_type = #tpu.core_type<sc_vector_subcore>, window_params = [{transform_indices = #map}, {transform_indices = #map}, {transform_indices = #map1}, {transform_indices = #map1}]} {
    %scan3A = arith.constant 0 : i32
    %scan3A_0 = arith.constant 0 : i32
    %scan3A_1 = arith.constant 128 : i32
    %scan3A_2 = arith.addi %scan3A_0, %scan3A_1 : i32
    %scan3A_3 = arith.constant 1 : i32
    %scan3A_4 = scf.for %scan3A_40 = %scan3A_0 to %scan3A_2 step %scan3A_3 iter_args(%scan3A_41 = %scan3A) -> (i32)  : i32 {
      %broadcast_in_dim3A = arith.constant 1.000000e+00 : f32
      %broadcast_in_dim3A_42 = vector.broadcast %broadcast_in_dim3A : f32 to vector<16xf32>
      %swap3A = arith.index_cast %scan3A_40 : i32 to index
      %swap3A_43 = arith.constant 0 : index
      %swap3A_44 = tpu.vector_load %arg7[%swap3A, %swap3A_43] {strides = array<i32>} : memref<128x128xf32, #tpu.memory_space<vmem>>, vector<1x16xf32>,
      %swap3A_45 = vector.shape_cast %swap3A_44 : vector<1x16xf32> to vector<16xf32>
      %swap3A_46 = vector.shape_cast %broadcast_in_dim3A_42 : vector<16xf32> to vector<1x16xf32>
      tpu.vector_store %arg7[%swap3A, %swap3A_43], %swap3A_46 {strides = array<i32>} : memref<128x128xf32, #tpu.memory_space<vmem>>, vector<1x16xf32>,
      %broadcast_in_dim3A_47 = arith.constant 1.000000e+00 : f32
      %broadcast_in_dim3A_48 = vector.broadcast %broadcast_in_dim3A_47 : f32 to vector<16xf32>
      %swap3A_49 = arith.index_cast %scan3A_40 : i32 to index
      %swap3A_50 = arith.constant 16 : index
      %swap3A_51 = tpu.vector_load %arg7[%swap3A_49, %swap3A_50] {strides = array<i32>} : memref<128x128xf32, #tpu.memory_space<vmem>>, vector<1x16xf32>,
      %swap3A_52 = vector.shape_cast %swap3A_51 : vector<1x16xf32> to vector<16xf32>
      %swap3A_53 = vector.shape_cast %broadcast_in_dim3A_48 : vector<16xf32> to vector<1x16xf32>
      tpu.vector_store %arg7[%swap3A_49, %swap3A_50], %swap3A_53 {strides = array<i32>} : memref<128x128xf32, #tpu.memory_space<vmem>>, vector<1x16xf32>,
      %broadcast_in_dim3A_54 = arith.constant 1.000000e+00 : f32
      %broadcast_in_dim3A_55 = vector.broadcast %broadcast_in_dim3A_54 : f32 to vector<16xf32>
      %swap3A_56 = arith.index_cast %scan3A_40 : i32 to index
      %swap3A_57 = arith.constant 32 : index
      %swap3A_58 = tpu.vector_load %arg7[%swap3A_56, %swap3A_57] {strides = array<i32>} : memref<128x128xf32, #tpu.memory_space<vmem>>, vector<1x16xf32>,
      %swap3A_59 = vector.shape_cast %swap3A_58 : vector<1x16xf32> to vector<16xf32>
      %swap3A_60 = vector.shape_cast %broadcast_in_dim3A_55 : vector<16xf32> to vector<1x16xf32>
      tpu.vector_store %arg7[%swap3A_56, %swap3A_57], %swap3A_60 {strides = array<i32>} : memref<128x128xf32, #tpu.memory_space<vmem>>, vector<1x16xf32>,
      %broadcast_in_dim3A_61 = arith.constant 1.000000e+00 : f32
      %broadcast_in_dim3A_62 = vector.broadcast %broadcast_in_dim3A_61 : f32 to vector<16xf32>
      %swap3A_63 = arith.index_cast %scan3A_40 : i32 to index
      %swap3A_64 = arith.constant 48 : index
      %swap3A_65 = tpu.vector_load %arg7[%swap3A_63, %swap3A_64] {strides = array<i32>} : memref<128x128xf32, #tpu.memory_space<vmem>>, vector<1x16xf32>,
      %swap3A_66 = vector.shape_cast %swap3A_65 : vector<1x16xf32> to vector<16xf32>
      %swap3A_67 = vector.shape_cast %broadcast_in_dim3A_62 : vector<16xf32> to vector<1x16xf32>
      tpu.vector_store %arg7[%swap3A_63, %swap3A_64], %swap3A_67 {strides = array<i32>} : memref<128x128xf32, #tpu.memory_space<vmem>>, vector<1x16xf32>,
      %broadcast_in_dim3A_68 = arith.constant 1.000000e+00 : f32
      %broadcast_in_dim3A_69 = vector.broadcast %broadcast_in_dim3A_68 : f32 to vector<16xf32>
      %swap3A_70 = arith.index_cast %scan3A_40 : i32 to index
      %swap3A_71 = arith.constant 64 : index
      %swap3A_72 = tpu.vector_load %arg7[%swap3A_70, %swap3A_71] {strides = array<i32>} : memref<128x128xf32, #tpu.memory_space<vmem>>, vector<1x16xf32>,
      %swap3A_73 = vector.shape_cast %swap3A_72 : vector<1x16xf32> to vector<16xf32>
      %swap3A_74 = vector.shape_cast %broadcast_in_dim3A_69 : vector<16xf32> to vector<1x16xf32>
      tpu.vector_store %arg7[%swap3A_70, %swap3A_71], %swap3A_74 {strides = array<i32>} : memref<128x128xf32, #tpu.memory_space<vmem>>, vector<1x16xf32>,
      %broadcast_in_dim3A_75 = arith.constant 1.000000e+00 : f32
      %broadcast_in_dim3A_76 = vector.broadcast %broadcast_in_dim3A_75 : f32 to vector<16xf32>
      %swap3A_77 = arith.index_cast %scan3A_40 : i32 to index
      %swap3A_78 = arith.constant 80 : index
      %swap3A_79 = tpu.vector_load %arg7[%swap3A_77, %swap3A_78] {strides = array<i32>} : memref<128x128xf32, #tpu.memory_space<vmem>>, vector<1x16xf32>,
      %swap3A_80 = vector.shape_cast %swap3A_79 : vector<1x16xf32> to vector<16xf32>
      %swap3A_81 = vector.shape_cast %broadcast_in_dim3A_76 : vector<16xf32> to vector<1x16xf32>
      tpu.vector_store %arg7[%swap3A_77, %swap3A_78], %swap3A_81 {strides = array<i32>} : memref<128x128xf32, #tpu.memory_space<vmem>>, vector<1x16xf32>,
      %broadcast_in_dim3A_82 = arith.constant 1.000000e+00 : f32
      %broadcast_in_dim3A_83 = vector.broadcast %broadcast_in_dim3A_82 : f32 to vector<16xf32>
      %swap3A_84 = arith.index_cast %scan3A_40 : i32 to index
      %swap3A_85 = arith.constant 96 : index
      %swap3A_86 = tpu.vector_load %arg7[%swap3A_84, %swap3A_85] {strides = array<i32>} : memref<128x128xf32, #tpu.memory_space<vmem>>, vector<1x16xf32>,
      %swap3A_87 = vector.shape_cast %swap3A_86 : vector<1x16xf32> to vector<16xf32>
      %swap3A_88 = vector.shape_cast %broadcast_in_dim3A_83 : vector<16xf32> to vector<1x16xf32>
      tpu.vector_store %arg7[%swap3A_84, %swap3A_85], %swap3A_88 {strides = array<i32>} : memref<128x128xf32, #tpu.memory_space<vmem>>, vector<1x16xf32>,
      %broadcast_in_dim3A_89 = arith.constant 1.000000e+00 : f32
      %broadcast_in_dim3A_90 = vector.broadcast %broadcast_in_dim3A_89 : f32 to vector<16xf32>
      %swap3A_91 = arith.index_cast %scan3A_40 : i32 to index
      %swap3A_92 = arith.constant 112 : index
      %swap3A_93 = tpu.vector_load %arg7[%swap3A_91, %swap3A_92] {strides = array<i32>} : memref<128x128xf32, #tpu.memory_space<vmem>>, vector<1x16xf32>,
      %swap3A_94 = vector.shape_cast %swap3A_93 : vector<1x16xf32> to vector<16xf32>
      %swap3A_95 = vector.shape_cast %broadcast_in_dim3A_90 : vector<16xf32> to vector<1x16xf32>
      tpu.vector_store %arg7[%swap3A_91, %swap3A_92], %swap3A_95 {strides = array<i32>} : memref<128x128xf32, #tpu.memory_space<vmem>>, vector<1x16xf32>,
      %scan3A_96 = arith.constant 0 : i32
      scf.yield %scan3A_96 : i32
    }
    %scan3A_5 = arith.constant 128 : i32
    %scan3A_6 = arith.constant 0 : i32
    %scan3A_7 = arith.constant 0 : i32
    %scan3A_8 = arith.constant 128 : i32
    %scan3A_9 = arith.addi %scan3A_7, %scan3A_8 : i32
    %scan3A_10 = arith.constant 1 : i32
    %scan3A_11 = scf.for %scan3A_40 = %scan3A_7 to %scan3A_9 step %scan3A_10 iter_args(%scan3A_41 = %scan3A_6) -> (i32)  : i32 {
      %broadcast_in_dim3A = arith.constant 0.000000e+00 : f32
      %broadcast_in_dim3A_42 = vector.broadcast %broadcast_in_dim3A : f32 to vector<16xf32>
      %swap3A = arith.index_cast %scan3A_40 : i32 to index
      %swap3A_43 = arith.constant 0 : index
      %swap3A_44 = tpu.vector_load %arg8[%swap3A, %swap3A_43] {strides = array<i32>} : memref<128x128xf32, #tpu.memory_space<vmem>>, vector<1x16xf32>,
      %swap3A_45 = vector.shape_cast %swap3A_44 : vector<1x16xf32> to vector<16xf32>
      %swap3A_46 = vector.shape_cast %broadcast_in_dim3A_42 : vector<16xf32> to vector<1x16xf32>
      tpu.vector_store %arg8[%swap3A, %swap3A_43], %swap3A_46 {strides = array<i32>} : memref<128x128xf32, #tpu.memory_space<vmem>>, vector<1x16xf32>,
      %broadcast_in_dim3A_47 = arith.constant 0.000000e+00 : f32
      %broadcast_in_dim3A_48 = vector.broadcast %broadcast_in_dim3A_47 : f32 to vector<16xf32>
      %swap3A_49 = arith.index_cast %scan3A_40 : i32 to index
      %swap3A_50 = arith.constant 16 : index
      %swap3A_51 = tpu.vector_load %arg8[%swap3A_49, %swap3A_50] {strides = array<i32>} : memref<128x128xf32, #tpu.memory_space<vmem>>, vector<1x16xf32>,
      %swap3A_52 = vector.shape_cast %swap3A_51 : vector<1x16xf32> to vector<16xf32>
      %swap3A_53 = vector.shape_cast %broadcast_in_dim3A_48 : vector<16xf32> to vector<1x16xf32>
      tpu.vector_store %arg8[%swap3A_49, %swap3A_50], %swap3A_53 {strides = array<i32>} : memref<128x128xf32, #tpu.memory_space<vmem>>, vector<1x16xf32>,
      %broadcast_in_dim3A_54 = arith.constant 0.000000e+00 : f32
      %broadcast_in_dim3A_55 = vector.broadcast %broadcast_in_dim3A_54 : f32 to vector<16xf32>
      %swap3A_56 = arith.index_cast %scan3A_40 : i32 to index
      %swap3A_57 = arith.constant 32 : index
      %swap3A_58 = tpu.vector_load %arg8[%swap3A_56, %swap3A_57] {strides = array<i32>} : memref<128x128xf32, #tpu.memory_space<vmem>>, vector<1x16xf32>,
      %swap3A_59 = vector.shape_cast %swap3A_58 : vector<1x16xf32> to vector<16xf32>
      %swap3A_60 = vector.shape_cast %broadcast_in_dim3A_55 : vector<16xf32> to vector<1x16xf32>
      tpu.vector_store %arg8[%swap3A_56, %swap3A_57], %swap3A_60 {strides = array<i32>} : memref<128x128xf32, #tpu.memory_space<vmem>>, vector<1x16xf32>,
      %broadcast_in_dim3A_61 = arith.constant 0.000000e+00 : f32
      %broadcast_in_dim3A_62 = vector.broadcast %broadcast_in_dim3A_61 : f32 to vector<16xf32>
      %swap3A_63 = arith.index_cast %scan3A_40 : i32 to index
      %swap3A_64 = arith.constant 48 : index
      %swap3A_65 = tpu.vector_load %arg8[%swap3A_63, %swap3A_64] {strides = array<i32>} : memref<128x128xf32, #tpu.memory_space<vmem>>, vector<1x16xf32>,
      %swap3A_66 = vector.shape_cast %swap3A_65 : vector<1x16xf32> to vector<16xf32>
      %swap3A_67 = vector.shape_cast %broadcast_in_dim3A_62 : vector<16xf32> to vector<1x16xf32>
      tpu.vector_store %arg8[%swap3A_63, %swap3A_64], %swap3A_67 {strides = array<i32>} : memref<128x128xf32, #tpu.memory_space<vmem>>, vector<1x16xf32>,
      %broadcast_in_dim3A_68 = arith.constant 0.000000e+00 : f32
      %broadcast_in_dim3A_69 = vector.broadcast %broadcast_in_dim3A_68 : f32 to vector<16xf32>
      %swap3A_70 = arith.index_cast %scan3A_40 : i32 to index
      %swap3A_71 = arith.constant 64 : index
      %swap3A_72 = tpu.vector_load %arg8[%swap3A_70, %swap3A_71] {strides = array<i32>} : memref<128x128xf32, #tpu.memory_space<vmem>>, vector<1x16xf32>,
      %swap3A_73 = vector.shape_cast %swap3A_72 : vector<1x16xf32> to vector<16xf32>
      %swap3A_74 = vector.shape_cast %broadcast_in_dim3A_69 : vector<16xf32> to vector<1x16xf32>
      tpu.vector_store %arg8[%swap3A_70, %swap3A_71], %swap3A_74 {strides = array<i32>} : memref<128x128xf32, #tpu.memory_space<vmem>>, vector<1x16xf32>,
      %broadcast_in_dim3A_75 = arith.constant 0.000000e+00 : f32
      %broadcast_in_dim3A_76 = vector.broadcast %broadcast_in_dim3A_75 : f32 to vector<16xf32>
      %swap3A_77 = arith.index_cast %scan3A_40 : i32 to index
      %swap3A_78 = arith.constant 80 : index
      %swap3A_79 = tpu.vector_load %arg8[%swap3A_77, %swap3A_78] {strides = array<i32>} : memref<128x128xf32, #tpu.memory_space<vmem>>, vector<1x16xf32>,
      %swap3A_80 = vector.shape_cast %swap3A_79 : vector<1x16xf32> to vector<16xf32>
      %swap3A_81 = vector.shape_cast %broadcast_in_dim3A_76 : vector<16xf32> to vector<1x16xf32>
      tpu.vector_store %arg8[%swap3A_77, %swap3A_78], %swap3A_81 {strides = array<i32>} : memref<128x128xf32, #tpu.memory_space<vmem>>, vector<1x16xf32>,
      %broadcast_in_dim3A_82 = arith.constant 0.000000e+00 : f32
      %broadcast_in_dim3A_83 = vector.broadcast %broadcast_in_dim3A_82 : f32 to vector<16xf32>
      %swap3A_84 = arith.index_cast %scan3A_40 : i32 to index
      %swap3A_85 = arith.constant 96 : index
      %swap3A_86 = tpu.vector_load %arg8[%swap3A_84, %swap3A_85] {strides = array<i32>} : memref<128x128xf32, #tpu.memory_space<vmem>>, vector<1x16xf32>,
      %swap3A_87 = vector.shape_cast %swap3A_86 : vector<1x16xf32> to vector<16xf32>
      %swap3A_88 = vector.shape_cast %broadcast_in_dim3A_83 : vector<16xf32> to vector<1x16xf32>
      tpu.vector_store %arg8[%swap3A_84, %swap3A_85], %swap3A_88 {strides = array<i32>} : memref<128x128xf32, #tpu.memory_space<vmem>>, vector<1x16xf32>,
      %broadcast_in_dim3A_89 = arith.constant 0.000000e+00 : f32
      %broadcast_in_dim3A_90 = vector.broadcast %broadcast_in_dim3A_89 : f32 to vector<16xf32>
      %swap3A_91 = arith.index_cast %scan3A_40 : i32 to index
      %swap3A_92 = arith.constant 112 : index
      %swap3A_93 = tpu.vector_load %arg8[%swap3A_91, %swap3A_92] {strides = array<i32>} : memref<128x128xf32, #tpu.memory_space<vmem>>, vector<1x16xf32>,
      %swap3A_94 = vector.shape_cast %swap3A_93 : vector<1x16xf32> to vector<16xf32>
      %swap3A_95 = vector.shape_cast %broadcast_in_dim3A_90 : vector<16xf32> to vector<1x16xf32>
      tpu.vector_store %arg8[%swap3A_91, %swap3A_92], %swap3A_95 {strides = array<i32>} : memref<128x128xf32, #tpu.memory_space<vmem>>, vector<1x16xf32>,
      %scan3A_96 = arith.constant 0 : i32
      scf.yield %scan3A_96 : i32
    }
    %scan3A_12 = arith.constant 128 : i32
    %mul3A = arith.constant 760 : i32
    %mul3A_13 = arith.muli %arg1, %mul3A : i32
    %scan3A_14 = arith.constant 0 : i32
    %scan3A_15 = arith.constant 0 : i32
    %scan3A_16 = arith.constant 5 : i32
    %scan3A_17 = arith.addi %scan3A_15, %scan3A_16 : i32
    %scan3A_18 = arith.constant 1 : i32
    %scan3A_19 = scf.for %scan3A_40 = %scan3A_15 to %scan3A_17 step %scan3A_18 iter_args(%scan3A_41 = %scan3A_14) -> (i32)  : i32 {
      %mul3A_42 = arith.constant 128 : i32
      %mul3A_43 = arith.muli %scan3A_40, %mul3A_42 : i32
      %add3A_44 = arith.addi %mul3A_13, %mul3A_43 : i32
      "tpu.region"() ({
        %run_scoped3A = tpu.sem_alloc : memref<!tpu.dma_semaphore, #tpu.memory_space<semaphore_mem>>
        %dma_start3A = arith.constant 0 : i32
        %dma_start3A_46 = tpu.memref_slice %arg9[%add3A_44, %dma_start3A] : memref<12160x128xf32, #tpu.memory_space<vmem_shared>> -> memref<128x128xf32, #tpu.memory_space<vmem_shared>>
        %dma_start3A_47 = arith.constant 0 : i32
        %dma_start3A_48 = tpu.memref_slice %arg9[%add3A_44, %dma_start3A_47] : memref<12160x128xf32, #tpu.memory_space<vmem_shared>> -> memref<128x128xf32, #tpu.memory_space<vmem_shared>>
        tpu.enqueue_dma source(%arg8 : memref<128x128xf32, #tpu.memory_space<vmem>>) target(%dma_start3A_48 : memref<128x128xf32, #tpu.memory_space<vmem_shared>>) target_semaphore(%run_scoped3A : memref<!tpu.dma_semaphore, #tpu.memory_space<semaphore_mem>>)
        %dma_wait3A = arith.constant 0 : i32
        %dma_wait3A_49 = tpu.memref_slice %arg9[%add3A_44, %dma_wait3A] : memref<12160x128xf32, #tpu.memory_space<vmem_shared>> -> memref<128x128xf32, #tpu.memory_space<vmem_shared>>
        %dma_wait3A_50 = arith.constant 0 : i32
        %dma_wait3A_51 = tpu.memref_slice %arg9[%add3A_44, %dma_wait3A_50] : memref<12160x128xf32, #tpu.memory_space<vmem_shared>> -> memref<128x128xf32, #tpu.memory_space<vmem_shared>>
        tpu.wait_dma2 semaphore(%run_scoped3A : memref<!tpu.dma_semaphore, #tpu.memory_space<semaphore_mem>>) src(%arg8 : memref<128x128xf32, #tpu.memory_space<vmem>>) dst(%dma_wait3A_51 : memref<128x128xf32, #tpu.memory_space<vmem_shared>>)
        tpu.yield
      }) : () -> ()
      %scan3A_45 = arith.constant 0 : i32
      scf.yield %scan3A_45 : i32
    }
    %scan3A_20 = arith.constant 5 : i32
    %add3A = arith.constant 640 : i32
    %add3A_21 = arith.addi %mul3A_13, %add3A : i32
    "tpu.region"() ({
      %run_scoped3A = tpu.sem_alloc : memref<!tpu.dma_semaphore, #tpu.memory_space<semaphore_mem>>
      %dma_start3A = arith.constant 0 : i32
      %dma_start3A_40 = arith.constant 0 : i32
      %dma_start3A_41 = tpu.memref_slice %arg8[%dma_start3A, %dma_start3A_40] : memref<128x128xf32, #tpu.memory_space<vmem>> -> memref<120x128xf32, #tpu.memory_space<vmem>>
      %dma_start3A_42 = arith.constant 0 : i32
      %dma_start3A_43 = tpu.memref_slice %arg9[%add3A_21, %dma_start3A_42] : memref<12160x128xf32, #tpu.memory_space<vmem_shared>> -> memref<120x128xf32, #tpu.memory_space<vmem_shared>>
      %dma_start3A_44 = arith.constant 0 : i32
      %dma_start3A_45 = tpu.memref_slice %arg9[%add3A_21, %dma_start3A_44] : memref<12160x128xf32, #tpu.memory_space<vmem_shared>> -> memref<120x128xf32, #tpu.memory_space<vmem_shared>>
      %dma_start3A_46 = arith.constant 0 : i32
      %dma_start3A_47 = arith.constant 0 : i32
      %dma_start3A_48 = tpu.memref_slice %arg8[%dma_start3A_46, %dma_start3A_47] : memref<128x128xf32, #tpu.memory_space<vmem>> -> memref<120x128xf32, #tpu.memory_space<vmem>>
      tpu.enqueue_dma source(%dma_start3A_48 : memref<120x128xf32, #tpu.memory_space<vmem>>) target(%dma_start3A_45 : memref<120x128xf32, #tpu.memory_space<vmem_shared>>) target_semaphore(%run_scoped3A : memref<!tpu.dma_semaphore, #tpu.memory_space<semaphore_mem>>)
      %dma_wait3A = arith.constant 0 : i32
      %dma_wait3A_49 = arith.constant 0 : i32
      %dma_wait3A_50 = tpu.memref_slice %arg8[%dma_wait3A, %dma_wait3A_49] : memref<128x128xf32, #tpu.memory_space<vmem>> -> memref<120x128xf32, #tpu.memory_space<vmem>>
      %dma_wait3A_51 = arith.constant 0 : i32
      %dma_wait3A_52 = tpu.memref_slice %arg9[%add3A_21, %dma_wait3A_51] : memref<12160x128xf32, #tpu.memory_space<vmem_shared>> -> memref<120x128xf32, #tpu.memory_space<vmem_shared>>
      %dma_wait3A_53 = arith.constant 0 : i32
      %dma_wait3A_54 = tpu.memref_slice %arg9[%add3A_21, %dma_wait3A_53] : memref<12160x128xf32, #tpu.memory_space<vmem_shared>> -> memref<120x128xf32, #tpu.memory_space<vmem_shared>>
      %dma_wait3A_55 = arith.constant 0 : i32
      %dma_wait3A_56 = arith.constant 0 : i32
      %dma_wait3A_57 = tpu.memref_slice %arg8[%dma_wait3A_55, %dma_wait3A_56] : memref<128x128xf32, #tpu.memory_space<vmem>> -> memref<120x128xf32, #tpu.memory_space<vmem>>
      tpu.wait_dma2 semaphore(%run_scoped3A : memref<!tpu.dma_semaphore, #tpu.memory_space<semaphore_mem>>) src(%dma_wait3A_57 : memref<120x128xf32, #tpu.memory_space<vmem>>) dst(%dma_wait3A_54 : memref<120x128xf32, #tpu.memory_space<vmem_shared>>)
      tpu.yield
    }) : () -> ()
    %barrier3A = arith.constant 0 : index
    tpu.barrier barrier_id(%barrier3A)
    %eq3A = arith.constant 0 : i32
    %eq3A_22 = arith.cmpi eq, %arg0, %eq3A : i32
    %convert_element_type3A = arith.extui %eq3A_22 : i1 to i32
    %cond3A = arith.constant 0 : i32
    %cond3A_23 = arith.cmpi ne, %convert_element_type3A, %cond3A : i32
    scf.if %cond3A_23 {
      %mul3A_40 = arith.constant 112 : i32
      %mul3A_41 = arith.muli %arg1, %mul3A_40 : i32
      %mul3A_42 = arith.constant 128 : i32
      %mul3A_43 = arith.muli %mul3A_41, %mul3A_42 : i32
      %scan3A_44 = arith.constant 0 : i32
      %scan3A_45 = arith.constant 0 : i32
      %scan3A_46 = arith.constant 112 : i32
      %scan3A_47 = arith.addi %scan3A_45, %scan3A_46 : i32
      %scan3A_48 = arith.constant 1 : i32
      %scan3A_49 = scf.for %scan3A_51 = %scan3A_45 to %scan3A_47 step %scan3A_48 iter_args(%scan3A_52 = %scan3A_44) -> (i32)  : i32 {
        %mul3A_53 = arith.constant 128 : i32
        %mul3A_54 = arith.muli %scan3A_51, %mul3A_53 : i32
        %add3A_55 = arith.addi %mul3A_43, %mul3A_54 : i32
        "tpu.region"() ({
          %run_scoped3A = tpu.sem_alloc : memref<!tpu.dma_semaphore, #tpu.memory_space<semaphore_mem>>
          %dma_start3A = tpu.memref_slice %arg2[%add3A_55] : memref<229376xi32, #tpu.memory_space<hbm>> -> memref<128xi32, #tpu.memory_space<hbm>>
          %dma_start3A_57 = tpu.memref_slice %arg2[%add3A_55] : memref<229376xi32, #tpu.memory_space<hbm>> -> memref<128xi32, #tpu.memory_space<hbm>>
          tpu.enqueue_dma source(%dma_start3A_57 : memref<128xi32, #tpu.memory_space<hbm>>) target(%arg6 : memref<128xi32, #tpu.memory_space<vmem>>) target_semaphore(%run_scoped3A : memref<!tpu.dma_semaphore, #tpu.memory_space<semaphore_mem>>)
          %dma_wait3A = tpu.memref_slice %arg2[%add3A_55] : memref<229376xi32, #tpu.memory_space<hbm>> -> memref<128xi32, #tpu.memory_space<hbm>>
          %dma_wait3A_58 = tpu.memref_slice %arg2[%add3A_55] : memref<229376xi32, #tpu.memory_space<hbm>> -> memref<128xi32, #tpu.memory_space<hbm>>
          tpu.wait_dma2 semaphore(%run_scoped3A : memref<!tpu.dma_semaphore, #tpu.memory_space<semaphore_mem>>) src(%dma_wait3A_58 : memref<128xi32, #tpu.memory_space<hbm>>) dst(%arg6 : memref<128xi32, #tpu.memory_space<vmem>>)
          tpu.yield
        }) : () -> ()
        "tpu.region"() ({
          %run_scoped3A = tpu.sem_alloc : memref<!tpu.dma_semaphore, #tpu.memory_space<semaphore_mem>>
          %dma_start3A = arith.constant 0 : i32
          %dma_start3A_57 = arith.constant 0 : i32
          %dma_start3A_58 = tpu.memref_slice %arg9[%dma_start3A, %dma_start3A_57] : memref<12160x128xf32, #tpu.memory_space<vmem_shared>> -> memref<12160x128xf32, #tpu.memory_space<vmem_shared>>
          tpu.enqueue_indirect_dma source(%arg7 : memref<128x128xf32, #tpu.memory_space<vmem>>) target(%dma_start3A_58 : memref<12160x128xf32, #tpu.memory_space<vmem_shared>>) offsets(%arg6 : memref<128xi32, #tpu.memory_space<vmem>>) semaphore(%run_scoped3A : memref<!tpu.dma_semaphore, #tpu.memory_space<semaphore_mem>>) {add = true}
          %dma_wait3A = arith.constant 0 : i32
          %dma_wait3A_59 = arith.constant 0 : i32
          %dma_wait3A_60 = tpu.memref_slice %arg9[%dma_wait3A, %dma_wait3A_59] : memref<12160x128xf32, #tpu.memory_space<vmem_shared>> -> memref<12160x128xf32, #tpu.memory_space<vmem_shared>>
          tpu.wait_indirect_dma semaphore(%run_scoped3A : memref<!tpu.dma_semaphore, #tpu.memory_space<semaphore_mem>>) src(%arg7 : memref<128x128xf32, #tpu.memory_space<vmem>>) dst(%dma_wait3A_60 : memref<12160x128xf32, #tpu.memory_space<vmem_shared>>)
          tpu.yield
        }) : () -> ()
        %scan3A_56 = arith.constant 0 : i32
        scf.yield %scan3A_56 : i32
      }
      %scan3A_50 = arith.constant 112 : i32
    } else {
    }
    %eq3A_24 = arith.constant 1 : i32
    %eq3A_25 = arith.cmpi eq, %arg0, %eq3A_24 : i32
    %convert_element_type3A_26 = arith.extui %eq3A_25 : i1 to i32
    %cond3A_27 = arith.constant 0 : i32
    %cond3A_28 = arith.cmpi ne, %convert_element_type3A_26, %cond3A_27 : i32
    scf.if %cond3A_28 {
      %mul3A_40 = arith.constant 48 : i32
      %mul3A_41 = arith.muli %arg1, %mul3A_40 : i32
      %mul3A_42 = arith.constant 128 : i32
      %mul3A_43 = arith.muli %mul3A_41, %mul3A_42 : i32
      %scan3A_44 = arith.constant 0 : i32
      %scan3A_45 = arith.constant 0 : i32
      %scan3A_46 = arith.constant 48 : i32
      %scan3A_47 = arith.addi %scan3A_45, %scan3A_46 : i32
      %scan3A_48 = arith.constant 1 : i32
      %scan3A_49 = scf.for %scan3A_51 = %scan3A_45 to %scan3A_47 step %scan3A_48 iter_args(%scan3A_52 = %scan3A_44) -> (i32)  : i32 {
        %mul3A_53 = arith.constant 128 : i32
        %mul3A_54 = arith.muli %scan3A_51, %mul3A_53 : i32
        %add3A_55 = arith.addi %mul3A_43, %mul3A_54 : i32
        "tpu.region"() ({
          %run_scoped3A = tpu.sem_alloc : memref<!tpu.dma_semaphore, #tpu.memory_space<semaphore_mem>>
          %dma_start3A = tpu.memref_slice %arg3[%add3A_55] : memref<98304xi32, #tpu.memory_space<hbm>> -> memref<128xi32, #tpu.memory_space<hbm>>
          %dma_start3A_57 = tpu.memref_slice %arg3[%add3A_55] : memref<98304xi32, #tpu.memory_space<hbm>> -> memref<128xi32, #tpu.memory_space<hbm>>
          tpu.enqueue_dma source(%dma_start3A_57 : memref<128xi32, #tpu.memory_space<hbm>>) target(%arg6 : memref<128xi32, #tpu.memory_space<vmem>>) target_semaphore(%run_scoped3A : memref<!tpu.dma_semaphore, #tpu.memory_space<semaphore_mem>>)
          %dma_wait3A = tpu.memref_slice %arg3[%add3A_55] : memref<98304xi32, #tpu.memory_space<hbm>> -> memref<128xi32, #tpu.memory_space<hbm>>
          %dma_wait3A_58 = tpu.memref_slice %arg3[%add3A_55] : memref<98304xi32, #tpu.memory_space<hbm>> -> memref<128xi32, #tpu.memory_space<hbm>>
          tpu.wait_dma2 semaphore(%run_scoped3A : memref<!tpu.dma_semaphore, #tpu.memory_space<semaphore_mem>>) src(%dma_wait3A_58 : memref<128xi32, #tpu.memory_space<hbm>>) dst(%arg6 : memref<128xi32, #tpu.memory_space<vmem>>)
          tpu.yield
        }) : () -> ()
        "tpu.region"() ({
          %run_scoped3A = tpu.sem_alloc : memref<!tpu.dma_semaphore, #tpu.memory_space<semaphore_mem>>
          %dma_start3A = arith.constant 0 : i32
          %dma_start3A_57 = arith.constant 0 : i32
          %dma_start3A_58 = tpu.memref_slice %arg9[%dma_start3A, %dma_start3A_57] : memref<12160x128xf32, #tpu.memory_space<vmem_shared>> -> memref<12160x128xf32, #tpu.memory_space<vmem_shared>>
          tpu.enqueue_indirect_dma source(%arg7 : memref<128x128xf32, #tpu.memory_space<vmem>>) target(%dma_start3A_58 : memref<12160x128xf32, #tpu.memory_space<vmem_shared>>) offsets(%arg6 : memref<128xi32, #tpu.memory_space<vmem>>) semaphore(%run_scoped3A : memref<!tpu.dma_semaphore, #tpu.memory_space<semaphore_mem>>) {add = true}
          %dma_wait3A = arith.constant 0 : i32
          %dma_wait3A_59 = arith.constant 0 : i32
          %dma_wait3A_60 = tpu.memref_slice %arg9[%dma_wait3A, %dma_wait3A_59] : memref<12160x128xf32, #tpu.memory_space<vmem_shared>> -> memref<12160x128xf32, #tpu.memory_space<vmem_shared>>
          tpu.wait_indirect_dma semaphore(%run_scoped3A : memref<!tpu.dma_semaphore, #tpu.memory_space<semaphore_mem>>) src(%arg7 : memref<128x128xf32, #tpu.memory_space<vmem>>) dst(%dma_wait3A_60 : memref<12160x128xf32, #tpu.memory_space<vmem_shared>>)
          tpu.yield
        }) : () -> ()
        %scan3A_56 = arith.constant 0 : i32
        scf.yield %scan3A_56 : i32
      }
      %scan3A_50 = arith.constant 48 : i32
    } else {
    }
    %barrier3A_29 = arith.constant 0 : index
    tpu.barrier barrier_id(%barrier3A_29)
    %eq3A_30 = arith.constant 0 : i32
    %eq3A_31 = arith.cmpi eq, %arg0, %eq3A_30 : i32
    %convert_element_type3A_32 = arith.extui %eq3A_31 : i1 to i32
    %cond3A_33 = arith.constant 0 : i32
    %cond3A_34 = arith.cmpi ne, %convert_element_type3A_32, %cond3A_33 : i32
    scf.if %cond3A_34 {
      %mul3A_40 = arith.constant 760 : i32
      %mul3A_41 = arith.muli %arg1, %mul3A_40 : i32
      %mul3A_42 = arith.constant 760 : i32
      %mul3A_43 = arith.muli %arg1, %mul3A_42 : i32
      "tpu.region"() ({
        %run_scoped3A = tpu.sem_alloc : memref<!tpu.dma_semaphore, #tpu.memory_space<semaphore_mem>>
        %dma_start3A = arith.constant 0 : i32
        %dma_start3A_44 = tpu.memref_slice %arg4[%mul3A_43, %dma_start3A] : memref<12160x128xf32, #tpu.memory_space<hbm>> -> memref<760x128xf32, #tpu.memory_space<hbm>>
        %dma_start3A_45 = arith.constant 0 : i32
        %dma_start3A_46 = tpu.memref_slice %arg9[%mul3A_41, %dma_start3A_45] : memref<12160x128xf32, #tpu.memory_space<vmem_shared>> -> memref<760x128xf32, #tpu.memory_space<vmem_shared>>
        tpu.enqueue_dma source(%dma_start3A_46 : memref<760x128xf32, #tpu.memory_space<vmem_shared>>) target(%dma_start3A_44 : memref<760x128xf32, #tpu.memory_space<hbm>>) target_semaphore(%run_scoped3A : memref<!tpu.dma_semaphore, #tpu.memory_space<semaphore_mem>>)
        %dma_wait3A = arith.constant 0 : i32
        %dma_wait3A_47 = tpu.memref_slice %arg4[%mul3A_43, %dma_wait3A] : memref<12160x128xf32, #tpu.memory_space<hbm>> -> memref<760x128xf32, #tpu.memory_space<hbm>>
        %dma_wait3A_48 = arith.constant 0 : i32
        %dma_wait3A_49 = tpu.memref_slice %arg9[%mul3A_41, %dma_wait3A_48] : memref<12160x128xf32, #tpu.memory_space<vmem_shared>> -> memref<760x128xf32, #tpu.memory_space<vmem_shared>>
        tpu.wait_dma2 semaphore(%run_scoped3A : memref<!tpu.dma_semaphore, #tpu.memory_space<semaphore_mem>>) src(%dma_wait3A_49 : memref<760x128xf32, #tpu.memory_space<vmem_shared>>) dst(%dma_wait3A_47 : memref<760x128xf32, #tpu.memory_space<hbm>>)
        tpu.yield
      }) : () -> ()
    } else {
    }
    %eq3A_35 = arith.constant 1 : i32
    %eq3A_36 = arith.cmpi eq, %arg0, %eq3A_35 : i32
    %convert_element_type3A_37 = arith.extui %eq3A_36 : i1 to i32
    %cond3A_38 = arith.constant 0 : i32
    %cond3A_39 = arith.cmpi ne, %convert_element_type3A_37, %cond3A_38 : i32
    scf.if %cond3A_39 {
      %mul3A_40 = arith.constant 760 : i32
      %mul3A_41 = arith.muli %arg1, %mul3A_40 : i32
      %mul3A_42 = arith.constant 760 : i32
      %mul3A_43 = arith.muli %arg1, %mul3A_42 : i32
      "tpu.region"() ({
        %run_scoped3A = tpu.sem_alloc : memref<!tpu.dma_semaphore, #tpu.memory_space<semaphore_mem>>
        %dma_start3A = arith.constant 0 : i32
        %dma_start3A_44 = tpu.memref_slice %arg5[%mul3A_43, %dma_start3A] : memref<12160x128xf32, #tpu.memory_space<hbm>> -> memref<760x128xf32, #tpu.memory_space<hbm>>
        %dma_start3A_45 = arith.constant 0 : i32
        %dma_start3A_46 = tpu.memref_slice %arg9[%mul3A_41, %dma_start3A_45] : memref<12160x128xf32, #tpu.memory_space<vmem_shared>> -> memref<760x128xf32, #tpu.memory_space<vmem_shared>>
        tpu.enqueue_dma source(%dma_start3A_46 : memref<760x128xf32, #tpu.memory_space<vmem_shared>>) target(%dma_start3A_44 : memref<760x128xf32, #tpu.memory_space<hbm>>) target_semaphore(%run_scoped3A : memref<!tpu.dma_semaphore, #tpu.memory_space<semaphore_mem>>)
        %dma_wait3A = arith.constant 0 : i32
        %dma_wait3A_47 = tpu.memref_slice %arg5[%mul3A_43, %dma_wait3A] : memref<12160x128xf32, #tpu.memory_space<hbm>> -> memref<760x128xf32, #tpu.memory_space<hbm>>
        %dma_wait3A_48 = arith.constant 0 : i32
        %dma_wait3A_49 = tpu.memref_slice %arg9[%mul3A_41, %dma_wait3A_48] : memref<12160x128xf32, #tpu.memory_space<vmem_shared>> -> memref<760x128xf32, #tpu.memory_space<vmem_shared>>
        tpu.wait_dma2 semaphore(%run_scoped3A : memref<!tpu.dma_semaphore, #tpu.memory_space<semaphore_mem>>) src(%dma_wait3A_49 : memref<760x128xf32, #tpu.memory_space<vmem_shared>>) dst(%dma_wait3A_47 : memref<760x128xf32, #tpu.memory_space<hbm>>)
        tpu.yield
      }) : () -> ()
    } else {
    }
    return
  }
}

</mosaic_0001>

<sc_bundles>
// kernel: _sc_count.3.cloned.1.call-start
scs
__scs_entry_jumppad:
0x0: {  	(pc) =	sbr.rel $0x88, $3  }
0x1: {  	(tag) =	ssettag $0x0;
	lr =	simm.s32 $0x1  }
0x2: {  	[smem:$0x3F9F] =	sst lr;
	_ =	strace $0xD0000000  }
0x3: {  	_ = 	snop  }
0x4: {  	_ = 	snop  }
0x5: {  	_ = 	snop  }
0x6: {  	_ = 	snop  }
0x7: {  	_ = 	snop  }
__scs_overlays_trampoline_lowered:
0x8: {  	[smem:$0x3FAE] =	sst s0  }
0x9: {  	[smem:$0x3FAF] =	sst s1  }
0xa: {  	[smem:$0x3FB0] =	sst s2  }
0xb: {  	[smem:$0x3FB1] =	sst s3  }
0xc: {  	[smem:$0x3FB2] =	sst s4  }
0xd: {  	[smem:$0x3FB3] =	sst s5  }
0xe: {  	[smem:$0x3FB4] =	sst s6  }
0xf: {  	[smem:$0x3FB5] =	sst s7  }
0x10: {  	[smem:$0x3FB6] =	sst s8  }
0x11: {  	[smem:$0x3FB7] =	sst s9;
	s0 =	simm.s32 @!p0 $0x0  }
0x12: {  	s1 =	sld [smem:$0x3F9D];
	s0 =	simm.s32 @p0 $0x1  }
0x13: {  	[smem:$0x3FB8] =	sst s0;
	s0 =	simm.s32 @!p1 $0x0  }
0x14: {  	s2 =	sld [smem:$0x3F9C];
	s0 =	simm.s32 @p1 $0x1  }
0x15: {  	[smem:$0x3FB9] =	sst s0;
	s0 =	simm.s32 @!p2 $0x0  }
0x16: {  	s3 =	sld [smem:$0x3FDB];
	s0 =	simm.s32 @p2 $0x1  }
0x17: {  	s4 =	simm.s32 $0x1BF5;
	[smem:$0x3FBB] =	sst s0  }
0x18: {  	s0 =	sld [smem:$0x3F9E];
	_ =	swait.ge [sflag:s4], $0x0  }
0x19: {  	s7 =	sld [smem:$0x3F9F]  }
0x1a: {  	s8 =	sadd.s32 $0xFFFFE003, lr  }
0x1b: {  	s9 =	sadd.s32 $0xFFFFFEF7, lr;
	s5 =	simm.s32 $0xFFFFFFFF;
	p2 =	slt.u32 s8, $0xFFFFF086  }
0x1c: {  	p1 =	slt.u32 s9, $0xF7A;
	s5 =	simm.s32 @!p2 $0x0  }
0x1d: {  	s5 =	simm.s32 @p1 $0x1;
	p0 =	seq.s32 s7, s2  }
0x1e: {  	s7 =	smul.u32 @!p0 $0xF7A, s2;
	p2 =	seq.s32 @!p0 s5, $0x0  }
0x1f: {  	s9 =	smul.u32 $0xF7A, s1;
	s8 =	simm.s32 @!p0 $0x1BF5;
	p2 =	por !p2, p0  }
0x20: {  	[sflag:s8] =	ssyncset.s32 @!p0 $0xFFFFF086;
	s6 =	sadd.s32 @!p0 s3, s7;
	s7 =	simm.s32 @!p0 $0x108  }
0x21: {  	s3 =	sadd.s32 s3, s9;
	s6 =	sadd.s32 @!p0 $0x88, s6;
	s7 =	simm.s32 @p2 $0x1082  }
0x22: {  	[simem:s7], [sflag:s8] =	dma.local @!p0 [hbm:s6], $0xF7A  }
0x23: {  	s9 =	sor.u32 $0xD0000000, s2;
	s6 =	simm.s32 $0x108;
	_ =	swait.ge @!p0 [sflag:s8], $0x0  }
0x24: {  	s3 =	sadd.s32 $0x88, s3;
	s6 =	simm.s32 @!p1 $0x1082;
	[sflag:s4] =	ssyncset.s32 $0xFFFFF086  }
0x25: {  	[simem:s6], [sflag:s4] =	dma.local [hbm:s3], $0xF7A  }
0x26: {  	[smem:$0x3F9F] =	sst s1;
	(tag) =	ssettag s2;
	_ =	strace s9  }
0x27: {  	s1 =	sld [smem:$0x3FAF]  }
0x28: {  	s2 =	sld [smem:$0x3FB0]  }
0x29: {  	s4 =	sld [smem:$0x3FB2]  }
0x2a: {  	p0 =	seq.s32 s5, $0x0;
	s5 =	sld [smem:$0x3FB3]  }
0x2b: {  	s6 =	sld [smem:$0x3FB4]  }
0x2c: {  	s7 =	sld [smem:$0x3FB5]  }
0x2d: {  	s3 =	simm.s32 $0x108;
	s8 =	sld [smem:$0x3FB6]  }
0x2e: {  	s3 =	simm.s32 @!p0 $0x1082;
	s9 =	sld [smem:$0x3FB7]  }
0x2f: {  	lr =	sadd.s32 s0, s3;
	s0 =	sld [smem:$0x3FAE]  }
0x30: {  	s3 =	sld [smem:$0x3FB1]  }
0x31: {  	[smem:$0x3FBA] =	sst s10  }
0x32: {  	s10 =	sld [smem:$0x3FB8];
	_ =	sdelay $0x3  }
0x33: {  	p0 =	seq.s32 s10, $0x1;
	s10 =	sld [smem:$0x3FBA];
	_ =	sdelay $0x3  }
0x34: {  	[smem:$0x3FBA] =	sst s10  }
0x35: {  	s10 =	sld [smem:$0x3FB9];
	_ =	sdelay $0x3  }
0x36: {  	p1 =	seq.s32 s10, $0x1;
	s10 =	sld [smem:$0x3FBA];
	_ =	sdelay $0x3  }
0x37: {  	[smem:$0x3FBA] =	sst s10  }
0x38: {  	s10 =	sld [smem:$0x3FBB]  }
0x39: {  	_ = 	snop;
	(pc) =	sbr.ind lr, $3  }
0x3a: {  	_ = 	snop  }
0x3b: {  	_ = 	snop  }
0x3c: {  	p2 =	seq.s32 s10, $0x1;
	s10 =	sld [smem:$0x3FBA]  }
0x3d: {  	_ =	shalt  }
0x3e: {  	_ =	shalt  }
0x3f: {  	_ =	shalt  }
0x40: {  	_ =	shalt  }
0x41: {  	_ =	shalt  }
0x42: {  	_ =	shalt  }
0x43: {  	_ =	shalt  }
0x44: {  	_ =	shalt  }
0x45: {  	_ =	shalt  }
0x46: {  	_ =	shalt  }
0x47: {  	_ =	shalt  }
0x48: {  	_ =	shalt  }
0x49: {  	_ =	shalt  }
0x4a: {  	_ =	shalt  }
0x4b: {  	_ =	shalt  }
0x4c: {  	_ =	shalt  }
0x4d: {  	_ =	shalt  }
0x4e: {  	_ =	shalt  }
0x4f: {  	_ =	shalt  }
0x50: {  	_ =	shalt  }
0x51: {  	_ =	shalt  }
0x52: {  	_ =	shalt  }
0x53: {  	_ =	shalt  }
0x54: {  	_ =	shalt  }
0x55: {  	_ =	shalt  }
0x56: {  	_ =	shalt  }
0x57: {  	_ =	shalt  }
0x58: {  	_ =	shalt  }
0x59: {  	_ =	shalt  }
0x5a: {  	_ =	shalt  }
0x5b: {  	_ =	shalt  }
0x5c: {  	_ =	shalt  }
0x5d: {  	_ =	shalt  }
0x5e: {  	_ =	shalt  }
0x5f: {  	_ =	shalt  }
0x60: {  	_ =	shalt  }
0x61: {  	_ =	shalt  }
0x62: {  	_ =	shalt  }
0x63: {  	_ =	shalt  }
0x64: {  	_ =	shalt  }
0x65: {  	_ =	shalt  }
0x66: {  	_ =	shalt  }
0x67: {  	_ =	shalt  }
0x68: {  	_ =	shalt  }
0x69: {  	_ =	shalt  }
0x6a: {  	_ =	shalt  }
0x6b: {  	_ =	shalt  }
0x6c: {  	_ =	shalt  }
0x6d: {  	_ =	shalt  }
0x6e: {  	_ =	shalt  }
0x6f: {  	_ =	shalt  }
0x70: {  	_ =	shalt  }
0x71: {  	_ =	shalt  }
0x72: {  	_ =	shalt  }
0x73: {  	_ =	shalt  }
0x74: {  	_ =	shalt  }
0x75: {  	_ =	shalt  }
0x76: {  	_ =	shalt  }
0x77: {  	_ =	shalt  }
0x78: {  	_ =	shalt  }
0x79: {  	_ =	shalt  }
0x7a: {  	_ =	shalt  }
0x7b: {  	_ =	shalt  }
0x7c: {  	_ =	shalt  }
0x7d: {  	_ =	shalt  }
0x7e: {  	_ =	shalt  }
0x7f: {  	_ =	shalt  }
0x80: {  	_ =	shalt  }
0x81: {  	_ =	shalt  }
0x82: {  	_ =	shalt  }
0x83: {  	_ =	shalt  }
0x84: {  	_ =	shalt  }
0x85: {  	_ =	shalt  }
0x86: {  	_ =	shalt  }
0x87: {  	_ =	shalt  }
.Lfunc_end0:
.L_simem_size_0:
called_computation_lowered:
.L_overlay_start_0:
0x88: {  	s2 =	sld [smem:$0x3FD9]  }
0x89: {  	s3 =	sld [smem:$0x3FFE];
	_ =	sdelay $0x1  }
0x8a: {  	s1 =	srdreg.scid  }
0x8b: {  	s0 =	sand.u32 $0x1, s1  }
0x8c: {  	s15 =	sshll.u32 s0, $0xA;
	s2 =	sadd.s32 s3, s2  }
0x8d: {  	s2 =	sadd.s32 s2, s15  }
0x8e: {  	[smem:$0x3FC6] =	sst s2  }
0x8f: {  	_ = 	snop  }
0x90: {  	s2 =	sld [smem:$0x3FD0];
	_ =	sdelay $0x1  }
0x91: {  	s16 =	sld [smem:$0x3FC9]  }
0x92: {  	s5 =	simm.s32 $0xA;
	s6 =	simm.s32 $0x10;
	s4 =	sld [smem:$0x3FC8]  }
0x93: {  	[smem:s6], [sflag:s5] =	dma.local [hbm:s2], $0x1  }
0x94: {  	_ =	swait.eq [sflag:s5], $0x1  }
0x95: {  	[sflag:s5] =	ssyncset.done $0x0  }
0x96: {  	s17 =	sld [smem:$0x10];
	[sflag:s5] =	ssyncadd.s32 $0xFFFFFFFF  }
0x97: {  	s18 =	sld [smem:$0x11];
	(tm) =	ssettm $0x1  }
0x98: {  	s19 =	sld [smem:$0x3FFB];
	_ =	sdelay $0x3  }
0x99: {  	_ =	strace s19  }
0x9a: {  	s6 =	sld [smem:$0x3FFC];
	_ =	sdelay $0x3  }
0x9b: {  	_ =	strace s6  }
0x9c: {  	s6 =	sld [smem:$0x3FFD];
	_ =	sdelay $0x3  }
0x9d: {  	_ =	strace s6  }
0x9e: {  	_ =	strace $0x8FFFFFFF  }
0x9f: {  	s20 =	sld [smem:$0x3FDB];
	_ =	sdelay $0x1  }
0xa0: {  	s7 =	simm.s32 $_scs_section_size  }
0xa1: {  	s8 =	simm.s32 $_size__tile_overlayer_lowered;
	s9 =	simm.s32 $_tile_overlayer_lowered  }
0xa2: {  	s23 =	simm.s32 $0x1BFF;
	s22 =	sshll.u32 s9, $0x1;
	s6 =	sadd.s32 s7, s20  }
0xa3: {  	s10 =	simm.s32 $0x0;
	s21 =	sshll.u32 s8, $0x1;
	s8 =	sadd.s32 s22, s6  }
0xa4: {  	[timem:s10], [sflag:s23] =	dma.local [hbm:s8], s21  }
0xa5: {  	_ =	swait.ge [sflag:s23], s21  }
0xa6: {  	s7 =	ssub.s32 $0x0, s21;
	[sflag:s23] =	ssyncset.done $0x0  }
0xa7: {  	[sflag:s23] =	ssyncadd.s32 s7;
	_ =	sdelay $0x1  }
0xa8: {  	s24 =	simm.s32 $0x1B8B  }
0xa9: {  	_ =	swait.ge [sflag:s24], $0x1  }
0xaa: {  	[sflag:s24] =	ssyncset.done $0x0  }
0xab: {  	s25 =	simm.s32 $0x1B8E;
	[sflag:s24] =	ssyncadd.s32 $0xFFFFFFFF  }
0xac: {  	s26 =	simm.s32 $execute0_lowered;
	[smem:$0x3FD2] =	sst s25  }
0xad: {  	s7 =	sshll.u32 s26, $0x1;
	_ =	strace $0x80000046;
	[dreg:$0x1] =	wrdreg $0xFFFFFFFF  }
0xae: {  	s28 =	simm.s32 $_size_execute0_lowered;
	s6 =	sadd.s32 s6, s7;
	[dreg:$0x0] =	wrdreg $0x0  }
0xaf: {  	s7 =	sshll.u32 s28, $0x1;
	[dreg:$0x2] =	wrdreg s6  }
0xb0: {  	[dreg:$0x3] =	wrdreg s7  }
0xb1: {  	[dreg:$0x4] =	wrdreg $0xC0  }
0xb2: {  	_ =	task [dreg:s10], $0x5FFFF  }
0xb3: {  	[dreg:$0x1] =	wrdreg $0xFFFFFFFF  }
0xb4: {  	[dreg:$0x0] =	wrdreg $0x60  }
0xb5: {  	[dreg:$0x2] =	wrdreg s16  }
0xb6: {  	[dreg:$0x3] =	wrdreg s4  }
0xb7: {  	[dreg:$0x4] =	wrdreg s17  }
0xb8: {  	[dreg:$0x5] =	wrdreg s18  }
0xb9: {  	[dreg:$0x6] =	wrdreg $0x80800  }
0xba: {  	[dreg:$0x7] =	wrdreg $0x9  }
0xbb: {  	_ =	task.clear_ibuf [dreg:s10], $0x8FFFF;
	_ =	strace $0x90000046  }
0xbc: {  	s29 =	simm.s32 $0x9;
	_ =	strace $0x80000048  }
0xbd: {  	_ =	swait.ge [sflag:s29], $0x1  }
0xbe: {  	[sflag:s29] =	ssyncadd.s32 $0xFFFFFFFF  }
0xbf: {  	_ =	strace $0x90000048  }
0xc0: {  	_ =	sfence  }
0xc1: {  	s30 =	sld [smem:$0x0];
	_ =	sdelay $0x2  }
0xc2: {  	s31 =	sshll.u32 s1, $0xD;
	s1 =	sshrl.u32 s1, $0x2  }
0xc3: {  	s3 =	sand.u32 $0x4000, s31;
	s1 =	sadd.s32 s1, s30  }
0xc4: {  	s0 =	sor.u32 s3, s0;
	s1 =	sshll.u32 s1, $0x11  }
0xc5: {  	s0 =	sor.u32 s1, s0  }
0xc6: {  	s0 =	sadd.s32 $0x8F2B, s0  }
0xc7: {  	[sflag:s0] =	ssyncadd.remote.s32 $0x1  }
0xc8: {  	_ =	sfence.sel $0xFFFF  }
0xc9: {  	[dreg:$0x0] =	wrdreg $0xFFFFFFFF;
	(pc) =	sbr.abs _section_cstart, $3  }
0xca: {  	[dreg:$0x1] =	wrdreg $0xFFFFFFFF  }
0xcb: {  	_ =	task.clear_ibuf [dreg:s10], $0x2FFFF;
	_ =	strace $0x9FFFFFFF  }
0xcc: {  	(tm) =	ssettm $0x7FFFFFFF  }
0xcd: {  	_ =	shalt  }
tec
execute0_lowered:
.L_overlay_start_1:
0x0: {  	(tag) =	ssettag $0x1  }
0x1: {  	s15 =	rddreg [dreg:$0x0]  }
0x2: {  	s14 =	rddreg [dreg:$0x1]  }
0x3: {  	s2 =	rddreg [dreg:$0x2]  }
0x4: {  	s3 =	rddreg [dreg:$0x3]  }
0x5: {  	s4 =	rddreg [dreg:$0x4]  }
0x6: {  	s0 =	rddreg [dreg:$0x5];
	s1 =	stileid.u32  }
0x7: {  	s5 =	simm.s32 $0x0;
	s6 =	srdreg.scid;
	s7 =	smul.u32 $0x5F000, s1  }
0x8: {  	s20 =	simm.s32 $0x0;
	[smem:$0x7FF] =	sst s5;
	s17 =	smul.u32 $0x300, s1  }
0x9: {  	s16 =	sand.u32 $0x1, s6;
	s18 =	smul.u32 $0x700, s1;
	s19 =	sshll.u32 s1, $0x6  }
0xa: {  	_ =	strace $0x80000047;
	s8 =	ssub.s32 $0x2, s16;
	p0 =	sne.s32 s16, $0x0  }
0xb: {  	s16 =	simm.s32 $0x4080;
	s31 =	sshrl.u32 s7, $0x2;
	s7 =	smul.u32 $0x2F80, s1  }
.Ltmp0:
0xc: {  	s19 =	sor.u32 $0x1C01, s19;
	s9 =	sshrl.u32 s8, $0x1;
	(pc) =	sbr.rel .LBB2_1-.Ltmp0, $4  }
0xd: {  	s14 =	sadd.s32 s17, s14;
	s15 =	sadd.s32 s18, s15;
	s17 =	simm.s32 $0x1  }
0xe: {  	s18 =	simm.s32 $0x80;
	s6 =	sadd.s32 s31, s4;
	s9 =	ssub.s32 s8, s9  }
0xf: {  	s8 =	sadd.s32 $0x14000, s6;
	s9 =	smax.u32 s9, $0x1;
	s10 =	sadd.s32 $0x4000, s6  }
0x10: {  	v0 =	vimm.f32 $1.000000000e+00;
	v1 =	vimm.f32 $0.0e+00;
	s11 =	sadd.s32 $0x8000, s6;
	s12 =	sadd.s32 $0xC000, s6;
	s13 =	sadd.s32 $0x10000, s6  }
.LBB2_11:
0x11: {  	s21 =	sadd.s32 s21, s14;
	[sflag:s17] =	ssyncadd.s32 $0xFFFFC000  }
0x12: {  	[tilespmem:s5], [sflag:$0x1] =	stream.linear.gather [hbm4b:s21+s5], $0x80, $0x38;
	[tilespmem:$0x1FC80] =	vst v63  }
0x13: {  	_ =	swait.ge [sflag:s17], $0x80  }
0x14: {  	[sflag:s17] =	ssyncset.done $0x0  }
0x15: {  	[sflag:s17] =	ssyncadd.s32 $0xFFFFFF80  }
0x16: {  	[spmem:s4] =	stream.indirect.scatter.add.f32 [tilespmem:s18], [sflag:$0x1], $0x80, s5, s18, $0xb8;
	[tilespmem:$0x1FC80] =	vst v63  }
0x17: {  	_ =	swait.ge [sflag:s17], $0x4000  }
0x18: {  	[sflag:s17] =	ssyncset.done $0x0  }
0x19: {  	s21 =	smov.u32 s3;
	[sflag:s17] =	ssyncadd.s32 $0xFFFFC000  }
.LBB2_12:
0x1a: {  	s20 =	sadd.s32 $0x1, s20  }
0x1b: {  	s21 =	sadd.s32 s21, s7;
	p1 =	sne.s32 s20, s9  }
.Ltmp1:
0x1c: {  	[bflag:$0x0] =	sbarrier.arrive $0xFFFF;
	s22 =	sshrl.u32 s6, $0x3;
	(pc) =	sbr.rel @!p1 .LBB2_13-.Ltmp1, $4  }
0x1d: {  	[hbm:s21], [sflag:s19] =	dma.local [spmem:s22], $0x2F80  }
0x1e: {  	_ =	swait.ge [sflag:s17], $0x2F80  }
0x1f: {  	[sflag:s17] =	ssyncset.done $0x0  }
0x20: {  	[sflag:s17] =	ssyncadd.s32 $0xFFFFD080  }
.LBB2_1:
0x21: {  	s21 =	simm.s32 $0x0;
	s22 =	simm.s32 $0x200  }
.LBB2_2:
0x22: {  	p1 =	sne.s32 s22, $0xFE00;
	[tilespmem:s21+$0xF0] =	vst v0  }
0x23: {  	[tilespmem:s21+$0x80] =	vst v0  }
0x24: {  	[tilespmem:s21+$0x90] =	vst v0  }
.Ltmp2:
0x25: {  	[tilespmem:s21+$0xA0] =	vst v0;
	(pc) =	sbr.rel @p1 .LBB2_2-.Ltmp2, $4  }
0x26: {  	[tilespmem:s21+$0xB0] =	vst v0  }
0x27: {  	[tilespmem:s21+$0xC0] =	vst v0  }
0x28: {  	[tilespmem:s21+$0xD0] =	vst v0  }
0x29: {  	[tilespmem:s21+$0xE0] =	vst v0;
	s21 =	sshra.s32 s22, $0x2;
	s22 =	sadd.s32 $0x200, s22  }
0x2a: {  	[tilespmem:s21+$0xF0] =	vst v0  }
0x2b: {  	[tilespmem:s21+$0x80] =	vst v0  }
0x2c: {  	[tilespmem:s21+$0x90] =	vst v0  }
0x2d: {  	[tilespmem:s21+$0xA0] =	vst v0  }
0x2e: {  	[tilespmem:s21+$0xB0] =	vst v0  }
0x2f: {  	[tilespmem:s21+$0xC0] =	vst v0  }
0x30: {  	[tilespmem:s21+$0xD0] =	vst v0  }
0x31: {  	[tilespmem:s21+$0xE0] =	vst v0;
	s21 =	simm.s32 $0x0;
	s22 =	simm.s32 $0x200  }
.LBB2_4:
0x32: {  	p1 =	sne.s32 s22, $0xFE00;
	[tilespmem:s21+$0x40F0] =	vst v1  }
0x33: {  	[tilespmem:s21+$0x4080] =	vst v1  }
0x34: {  	[tilespmem:s21+$0x4090] =	vst v1  }
.Ltmp3:
0x35: {  	[tilespmem:s21+$0x40A0] =	vst v1;
	(pc) =	sbr.rel @p1 .LBB2_4-.Ltmp3, $4  }
0x36: {  	[tilespmem:s21+$0x40B0] =	vst v1  }
0x37: {  	[tilespmem:s21+$0x40C0] =	vst v1  }
0x38: {  	[tilespmem:s21+$0x40D0] =	vst v1  }
0x39: {  	[tilespmem:s21+$0x40E0] =	vst v1;
	s21 =	sshra.s32 s22, $0x2;
	s22 =	sadd.s32 $0x200, s22  }
0x3a: {  	[tilespmem:s21+$0x40F0] =	vst v1  }
0x3b: {  	[tilespmem:s21+$0x4080] =	vst v1  }
0x3c: {  	[tilespmem:s21+$0x4090] =	vst v1  }
0x3d: {  	[tilespmem:s21+$0x40A0] =	vst v1  }
0x3e: {  	[tilespmem:s21+$0x40B0] =	vst v1  }
0x3f: {  	[tilespmem:s21+$0x40C0] =	vst v1  }
0x40: {  	[tilespmem:s21+$0x40D0] =	vst v1  }
0x41: {  	[tilespmem:s21+$0x40E0] =	vst v1  }
0x42: {  	[spmem:s6] =	stream.linear.scatter [tilespmem:s16], [sflag:$0x1], $0x4000, $0x38;
	[tilespmem:$0x1FC80] =	vst v63  }
0x43: {  	_ =	swait.ge [sflag:s17], $0x4000  }
0x44: {  	[sflag:s17] =	ssyncset.done $0x0  }
0x45: {  	[sflag:s17] =	ssyncadd.s32 $0xFFFFC000  }
0x46: {  	[spmem:s10] =	stream.linear.scatter [tilespmem:s16], [sflag:$0x1], $0x4000, $0x38;
	[tilespmem:$0x1FC80] =	vst v63  }
0x47: {  	_ =	swait.ge [sflag:s17], $0x4000  }
0x48: {  	[sflag:s17] =	ssyncset.done $0x0  }
0x49: {  	[sflag:s17] =	ssyncadd.s32 $0xFFFFC000  }
0x4a: {  	[spmem:s11] =	stream.linear.scatter [tilespmem:s16], [sflag:$0x1], $0x4000, $0x38;
	[tilespmem:$0x1FC80] =	vst v63  }
0x4b: {  	_ =	swait.ge [sflag:s17], $0x4000  }
0x4c: {  	[sflag:s17] =	ssyncset.done $0x0  }
0x4d: {  	[sflag:s17] =	ssyncadd.s32 $0xFFFFC000  }
0x4e: {  	[spmem:s12] =	stream.linear.scatter [tilespmem:s16], [sflag:$0x1], $0x4000, $0x38;
	[tilespmem:$0x1FC80] =	vst v63  }
0x4f: {  	_ =	swait.ge [sflag:s17], $0x4000  }
0x50: {  	[sflag:s17] =	ssyncset.done $0x0  }
0x51: {  	[sflag:s17] =	ssyncadd.s32 $0xFFFFC000  }
0x52: {  	[spmem:s13] =	stream.linear.scatter [tilespmem:s16], [sflag:$0x1], $0x4000, $0x38;
	[tilespmem:$0x1FC80] =	vst v63  }
0x53: {  	_ =	swait.ge [sflag:s17], $0x4000  }
0x54: {  	[sflag:s17] =	ssyncset.done $0x0  }
0x55: {  	[sflag:s17] =	ssyncadd.s32 $0xFFFFC000  }
0x56: {  	[spmem:s8] =	stream.linear.scatter [tilespmem:s16], [sflag:$0x1], $0x3C00, $0x38;
	[tilespmem:$0x1FC80] =	vst v63  }
.Ltmp4:
0x57: {  	_ =	swait.ge [sflag:s17], $0x3C00;
	(pc) =	sbr.rel @p0 .LBB2_9-.Ltmp4, $3  }
0x58: {  	[sflag:s17] =	ssyncset.done $0x0  }
0x59: {  	[sflag:s17] =	ssyncadd.s32 $0xFFFFC400  }
0x5a: {  	[bflag:$0x0] =	sbarrier.arrive $0xFFFF;
	_ =	sdelay $0x1  }
0x5b: {  	s21 =	sadd.s32 $0x0, s15  }
0x5c: {  	[tilespmem:s5], [sflag:$0x1] =	stream.linear.gather [hbm4b:s21+s5], $0x80, $0x38;
	[tilespmem:$0x1FC80] =	vst v63  }
0x5d: {  	_ =	swait.ge [sflag:s17], $0x80  }
0x5e: {  	[sflag:s17] =	ssyncset.done $0x0  }
0x5f: {  	[sflag:s17] =	ssyncadd.s32 $0xFFFFFF80  }
0x60: {  	[spmem:s4] =	stream.indirect.scatter.add.f32 [tilespmem:s18], [sflag:$0x1], $0x80, s5, s18, $0xb8;
	[tilespmem:$0x1FC80] =	vst v63  }
0x61: {  	_ =	swait.ge [sflag:s17], $0x4000  }
0x62: {  	s22 =	simm.s32 $0x20;
	s21 =	simm.s32 $0x10;
	[sflag:s17] =	ssyncset.done $0x0  }
.LBB2_7:
0x63: {  	s23 =	sadd.s32 s21, s15  }
0x64: {  	[sflag:s17] =	ssyncadd.s32 $0xFFFFC000;
	s21 =	smov.u32 s22;
	s24 =	sadd.s32 $0x10, s22  }
0x65: {  	[tilespmem:s5], [sflag:$0x1] =	stream.linear.gather [hbm4b:s23+s5], $0x80, $0x38;
	[tilespmem:$0x1FC80] =	vst v63  }
0x66: {  	p1 =	seq.s32 s22, $0x6F0;
	_ =	swait.ge [sflag:s17], $0x80  }
.Ltmp5:
0x67: {  	[sflag:s17] =	ssyncset.done $0x0;
	(pc) =	sbr.rel @!p1 .LBB2_7-.Ltmp5, $4  }
0x68: {  	[sflag:s17] =	ssyncadd.s32 $0xFFFFFF80  }
0x69: {  	[spmem:s4] =	stream.indirect.scatter.add.f32 [tilespmem:s18], [sflag:$0x1], $0x80, s5, s18, $0xb8;
	[tilespmem:$0x1FC80] =	vst v63  }
0x6a: {  	_ =	swait.ge [sflag:s17], $0x4000  }
0x6b: {  	s22 =	smov.u32 s24;
	[sflag:s17] =	ssyncset.done $0x0  }
0x6c: {  	s21 =	sadd.s32 s21, s15;
	[sflag:s17] =	ssyncadd.s32 $0xFFFFC000  }
0x6d: {  	[tilespmem:s5], [sflag:$0x1] =	stream.linear.gather [hbm4b:s21+s5], $0x80, $0x38;
	[tilespmem:$0x1FC80] =	vst v63  }
0x6e: {  	_ =	swait.ge [sflag:s17], $0x80  }
0x6f: {  	[sflag:s17] =	ssyncset.done $0x0  }
.Ltmp6:
0x70: {  	[sflag:s17] =	ssyncadd.s32 $0xFFFFFF80;
	(pc) =	sbr.rel .LBB2_12-.Ltmp6, $4  }
0x71: {  	[spmem:s4] =	stream.indirect.scatter.add.f32 [tilespmem:s18], [sflag:$0x1], $0x80, s5, s18, $0xb8;
	[tilespmem:$0x1FC80] =	vst v63  }
0x72: {  	_ =	swait.ge [sflag:s17], $0x4000  }
0x73: {  	[sflag:s17] =	ssyncset.done $0x0  }
0x74: {  	s21 =	smov.u32 s2;
	[sflag:s17] =	ssyncadd.s32 $0xFFFFC000  }
.LBB2_9:
0x75: {  	s21 =	sadd.s32 $0x0, s14  }
0x76: {  	[tilespmem:s5], [sflag:$0x1] =	stream.linear.gather [hbm4b:s21+s5], $0x80, $0x38;
	[tilespmem:$0x1FC80] =	vst v63  }
0x77: {  	_ =	swait.ge [sflag:s17], $0x80  }
0x78: {  	[sflag:s17] =	ssyncset.done $0x0  }
0x79: {  	[sflag:s17] =	ssyncadd.s32 $0xFFFFFF80  }
0x7a: {  	[spmem:s4] =	stream.indirect.scatter.add.f32 [tilespmem:s18], [sflag:$0x1], $0x80, s5, s18, $0xb8;
	[tilespmem:$0x1FC80] =	vst v63  }
0x7b: {  	_ =	swait.ge [sflag:s17], $0x4000  }
0x7c: {  	s22 =	simm.s32 $0x20;
	s21 =	simm.s32 $0x10;
	[sflag:s17] =	ssyncset.done $0x0  }
.LBB2_10:
0x7d: {  	s23 =	sadd.s32 s21, s14  }
0x7e: {  	[sflag:s17] =	ssyncadd.s32 $0xFFFFC000;
	s21 =	smov.u32 s22;
	s24 =	sadd.s32 $0x10, s22  }
0x7f: {  	[tilespmem:s5], [sflag:$0x1] =	stream.linear.gather [hbm4b:s23+s5], $0x80, $0x38;
	[tilespmem:$0x1FC80] =	vst v63  }
0x80: {  	p1 =	sne.s32 s22, $0x2F0;
	_ =	swait.ge [sflag:s17], $0x80  }
.Ltmp7:
0x81: {  	[sflag:s17] =	ssyncset.done $0x0;
	(pc) =	sbr.rel @p1 .LBB2_10-.Ltmp7, $4  }
0x82: {  	[sflag:s17] =	ssyncadd.s32 $0xFFFFFF80  }
0x83: {  	[spmem:s4] =	stream.indirect.scatter.add.f32 [tilespmem:s18], [sflag:$0x1], $0x80, s5, s18, $0xb8;
	[tilespmem:$0x1FC80] =	vst v63  }
0x84: {  	_ =	swait.ge [sflag:s17], $0x4000  }
0x85: {  	s22 =	smov.u32 s24;
	[sflag:s17] =	ssyncset.done $0x0  }
.Ltmp8:
0x86: {  	_ = 	snop;
	(pc) =	sbr.rel .LBB2_11-.Ltmp8, $1  }
0x87: {  	_ =	sdelay $0x3  }
.LBB2_13:
0x88: {  	_ =	sfence.sel $0x180000  }
0x89: {  	[bflag:$0x0] =	sbarrier.arrive $0xFFFF  }
0x8a: {  	p0 =	sne.s32 s1, $0x0;
	_ =	strace $0x90000047  }
0x8b: {  	s0 =	sadd.s32 @!p0 $0x100000, s0;
	[bflag:$0x2] =	sbarrier.arrive $0xFFFF  }
0x8c: {  	[sflag:s0] =	ssyncadd.tile.s32 @!p0 $0x1;
	_ =	shalt  }
.Lfunc_end2:
_tile_overlayer_lowered:
.L_overlay_start_2:
0x8d: {  	(tag) =	ssettag $0x2  }
0x8e: {  	s0 =	rddreg [dreg:$0x0];
	s2 =	stileid.u32  }
0x8f: {  	s1 =	rddreg [dreg:$0x1];
	p0 =	sne.s32 s2, $0x0  }
0x90: {  	s3 =	rddreg [dreg:$0x2];
	[bflag:$0x3] =	sbarrier.arrive $0xFFFF;
	s2 =	simm.s32 @!p0 $0x1C01  }
0x91: {  	[timem:s3], [sflag:s2] =	dma.local @!p0 [hbm:s0], s1  }
0x92: {  	s0 =	simm.s32 @!p0 $0x1  }
0x93: {  	_ =	swait.ge @!p0 [sflag:s0], s1  }
0x94: {  	s1 =	ssub.s32 @!p0 $0x0, s1;
	[sflag:s0] =	ssyncset.done @!p0 $0x0  }
0x95: {  	[sflag:s0] =	ssyncadd.s32 @!p0 s1  }
0x96: {  	[bflag:$0x3] =	sbarrier.arrive $0xFFFF  }
0x97: {  	_ =	shalt  }

</sc_bundles>
